<compile_context>
chip_gen: v7x
topology: tpu7x:2x2x1
jax: 0.10.2.dev20260603
libtpu: 0.0.44.dev20260713+nightly
codegen_flags: <defaults>
</compile_context>

<pallas_src>
import functools
from math import exp as np_exp

import jax
import jax.numpy as jnp
from jax import lax
from jax.experimental import pallas as pl
from jax.experimental.pallas import tpu as pltpu
from jax.experimental.pallas import tpu_sc as plsc

N = 10000
K = 32
CIN = 128
COUT = 128
NB_BASIS = 10
MAXR = 2.5
SIGMA = MAXR / NB_BASIS
INV2S2 = 1.0 / (2.0 * SIGMA * SIGMA)
E = N * K

_CH = 80
_L = 16


_RING = 4
_NSTAGE = 1
_ES = E // _NSTAGE
_EW = _ES // 32
_NCH = _EW // _CH
_NPASS = (_NCH + _RING - 1) // _RING


def _sc_gather_body(ft_hbm, xs_hbm, ys_hbm, zs_hbm, idx_hbm,
                    outf_hbm, outd_hbm,
                    idx_all, f0, f1, f2, f3, d0, d1, d2b, d3,
                    xs_v, ys_v, zs_v,
                    sf0, sf1, sf2, sf3, ss0, ss1, ss2, ss3, nc, ebase0):
    wid = lax.axis_index("s") * nc + lax.axis_index("c")
    wbase = wid * _EW
    fb = [f0, f1, f2, f3]
    db = [d0, d1, d2b, d3]
    sf = [sf0, sf1, sf2, sf3]
    ss = [ss0, ss1, ss2, ss3]

    pltpu.sync_copy(idx_hbm.at[pl.ds(pl.multiple_of(wbase, 8), _EW)], idx_all)
    pltpu.sync_copy(xs_hbm, xs_v)
    pltpu.sync_copy(ys_hbm, ys_v)
    pltpu.sync_copy(zs_hbm, zs_v)

    def idx_slice(c):
        return idx_all.at[pl.ds(c * _CH, _CH)]

    def ebase(c):
        return pl.multiple_of(wbase + c * _CH, 8)

    def stores_wait(b):
        base0 = pl.multiple_of(wbase, 8)
        pltpu.make_async_copy(fb[b], outf_hbm.at[pl.ds(base0, _CH)],
                              ss[b]).wait()
        pltpu.make_async_copy(db[b], outd_hbm.at[pl.ds(base0, _CH)],
                              ss[b]).wait()

    def body(p, carry):
        for b in range(_RING):
            c = _RING * p + b

            @pl.when(c < _NCH)
            def _():
                @pl.when(c >= _RING)
                def _():
                    stores_wait(b)
                pltpu.async_copy(ft_hbm.at[idx_slice(c)], fb[b], sf[b])

        for b in range(_RING):
            c = _RING * p + b

            @pl.when(c < _NCH)
            def _():
                for g in range(_CH // _L):
                    off = c * _CH + g * _L
                    nbr = idx_all[pl.ds(off, _L)]
                    own = lax.shift_right_logical(
                        ebase0 + wbase + off
                        + jnp.arange(_L, dtype=jnp.int32), 5)
                    dx = (plsc.load_gather(xs_v, [nbr])
                          - plsc.load_gather(xs_v, [own]))
                    dy = (plsc.load_gather(ys_v, [nbr])
                          - plsc.load_gather(ys_v, [own]))
                    dz = (plsc.load_gather(zs_v, [nbr])
                          - plsc.load_gather(zs_v, [own]))
                    db[b][pl.ds(g * _L, _L)] = dx * dx + dy * dy + dz * dz
                pltpu.make_async_copy(ft_hbm.at[idx_slice(c)], fb[b],
                                      sf[b]).wait()
                base = ebase(c)
                pltpu.async_copy(fb[b], outf_hbm.at[pl.ds(base, _CH)], ss[b])
                pltpu.async_copy(db[b], outd_hbm.at[pl.ds(base, _CH)], ss[b])
        return carry

    lax.fori_loop(0, _NPASS, body, 0)
    for b in range(_RING):
        stores_wait(b)


def _sc_gather(ft, xs, ys, zs, idx, ebase0):
    info = plsc.get_sparse_core_info()
    nc = info.num_cores
    mesh = plsc.VectorSubcoreMesh(core_axis_name="c", subcore_axis_name="s")
    fn = functools.partial(
        pl.kernel,
        mesh=mesh,
        out_type=(
            jax.ShapeDtypeStruct((_ES, CIN), jnp.float32),
            jax.ShapeDtypeStruct((_ES,), jnp.float32),
        ),
        scratch_types=(
            [pltpu.VMEM((_EW,), jnp.int32)]
            + [pltpu.VMEM((_CH, CIN), jnp.float32)] * _RING
            + [pltpu.VMEM((_CH,), jnp.float32)] * _RING
            + [pltpu.VMEM((N,), jnp.float32)] * 3
            + [pltpu.SemaphoreType.DMA] * (2 * _RING)
        ),
        compiler_params=pltpu.CompilerParams(needs_layout_passes=False),
    )(functools.partial(_sc_gather_body, nc=nc, ebase0=ebase0))
    return fn(ft, xs, ys, zs, idx)


_NBLK = 200
_GN = 8
_CON = _GN * K
_G = _NBLK // _GN
_ROWS = _GN * NB_BASIS
_DELTA = MAXR / (NB_BASIS - 1)
_C5 = 5.0 * _DELTA


def _tc_body(gf_ref, d2_ref, rm_ref, wbig_ref, out_ref):
    d2 = d2_ref[0]
    d = jnp.minimum(jnp.sqrt(d2 + 1e-12), 6.0)
    rm = rm_ref[0]
    a_lo = jnp.exp(d * d * (-INV2S2)) * rm
    dh = d - _C5
    a_hi = jnp.exp(dh * dh * (-INV2S2)) * rm
    u = jnp.exp(d * (2.0 * INV2S2 * _DELTA))

    rbs = []
    e = a_lo
    rbs.append(e)
    for m in range(1, 5):
        e = e * u
        rbs.append(e * float(np_exp(-INV2S2 * (m * _DELTA) ** 2)))
    e = a_hi
    rbs.append(e)
    for m in range(1, 5):
        e = e * u
        rbs.append(e * float(np_exp(-INV2S2 * _DELTA * _DELTA
                                    * (10 * m + m * m))))

    rbstack = jnp.stack(rbs, axis=1)
    tiled = jnp.broadcast_to(
        rbstack[:, None, :, :], (_G, _GN, NB_BASIS, _CON)
    ).reshape(_G, _ROWS, _CON)
    ri = lax.broadcasted_iota(jnp.int32, (_ROWS, _CON), 0)
    ci = lax.broadcasted_iota(jnp.int32, (_ROWS, _CON), 1)
    maskf = (ri // NB_BASIS == ci // K).astype(jnp.float32)
    lhs = (tiled * maskf[None]).astype(jnp.bfloat16)

    rhs = gf_ref[...].astype(jnp.bfloat16)
    s = lax.dot_general(
        lhs, rhs,
        dimension_numbers=(((2,), (1,)), ((0,), (0,))),
        preferred_element_type=jnp.float32)
    s_flat = s.reshape(_NBLK, NB_BASIS * CIN).astype(jnp.bfloat16)
    out_ref[...] = lax.dot_general(
        s_flat, wbig_ref[...],
        dimension_numbers=(((1,), (0,)), ((), ())),
        preferred_element_type=jnp.float32)


_NS = N // _NSTAGE


def _tc_compute(gf3, d2g, rmg, wbig):
    grid = (_NS // _NBLK,)
    return pl.pallas_call(
        _tc_body,
        grid=grid,
        in_specs=[
            pl.BlockSpec((_G, _CON, CIN), lambda i: (i, 0, 0)),
            pl.BlockSpec((1, _G, _CON), lambda i: (i, 0, 0)),
            pl.BlockSpec((1, _G, _CON), lambda i: (i, 0, 0)),
            pl.BlockSpec((NB_BASIS * CIN, COUT), lambda i: (0, 0)),
        ],
        out_specs=pl.BlockSpec((_NBLK, COUT), lambda i: (i, 0)),
        out_shape=jax.ShapeDtypeStruct((_NS, COUT), jnp.float32),
        compiler_params=pltpu.CompilerParams(
            dimension_semantics=("arbitrary",)),
    )(gf3, d2g, rmg, wbig)


def kernel(features, geometry, neighbors, rel_mask, W):
    ft = features.T
    xs = geometry[:, 0]
    ys = geometry[:, 1]
    zs = geometry[:, 2]
    idx = neighbors.reshape(-1).astype(jnp.int32)
    wbig = jnp.transpose(W, (0, 2, 1)).reshape(
        NB_BASIS * CIN, COUT).astype(jnp.bfloat16)
    rmg = rel_mask.reshape(N // _NBLK, _G, _CON)
    outs = []
    for s in range(_NSTAGE):
        gf, d2 = _sc_gather(ft, xs, ys, zs,
                            lax.slice(idx, (s * _ES,), ((s + 1) * _ES,)),
                            s * _ES)
        nb0 = s * (_NS // _NBLK)
        outs.append(_tc_compute(
            gf.reshape(_ES // _CON, _CON, CIN),
            d2.reshape(_NS // _NBLK, _G, _CON),
            lax.slice(rmg, (nb0, 0, 0),
                      (nb0 + _NS // _NBLK, _G, _CON)), wbig))
    return jnp.concatenate(outs, axis=0).T

# --- scband reference (transcript-rebuilt; emitter-appended) ---
"""Pipeline reference for scband-se3-point-convolution-22668837388927 (READ-ONLY COPY).

The authoritative reference and input builder live on the scoring server;
editing this copy changes nothing except your own understanding.
"""

import jax, jax.numpy as jnp
import numpy as np

NUM_BASIS = 10
MAX_RADIUS = 2.5
N_POINTS = 10000
N_NEIGH = 32
C_IN = 128
C_OUT = 128


def setup_inputs(seed: int = 0) -> dict:
    key = jax.random.key(seed)
    k1, k2, k3, k4, k5 = jax.random.split(key, 5)
    features = jax.random.normal(k1, (C_IN, N_POINTS), dtype=jnp.float32)
    geometry = jax.random.normal(k2, (N_POINTS, 3), dtype=jnp.float32)
    neighbors = jax.random.randint(k3, (N_POINTS, N_NEIGH), 0, N_POINTS)
    rel_mask = jax.random.uniform(k4, (N_POINTS, N_NEIGH), dtype=jnp.float32)
    # Learned radial-kernel mixing weights for the scalar (L=0) SE(3) kernel:
    # k(r)[i,j] = sum_b rbf_b(|r|) * W[b,i,j]
    W = jax.random.normal(k5, (NUM_BASIS, C_OUT, C_IN), dtype=jnp.float32) * (1.0 / np.sqrt(NUM_BASIS * C_IN))
    return {"features": features, "geometry": geometry, "neighbors": neighbors, "rel_mask": rel_mask, "W": W}


def reference(features, geometry, neighbors, rel_mask, W):
    # features: [C_in, N]; geometry: [N, 3]; neighbors: [N, K]; rel_mask: [N, K]; W: [B, C_out, C_in]
    ra = geometry[:, None, :]                     # [N, 1, 3]
    rb = jnp.take(geometry, neighbors, axis=0)    # [N, K, 3] gather
    diff = rb - ra                                # [N, K, 3]
    dist = jnp.sqrt(jnp.sum(diff * diff, axis=-1) + 1e-12)  # [N, K]
    centers = jnp.linspace(0.0, MAX_RADIUS, NUM_BASIS)
    sigma = MAX_RADIUS / NUM_BASIS
    rbf = jnp.exp(-((dist[..., None] - centers) ** 2) / (2.0 * sigma * sigma))  # [N, K, B]
    rbf = rbf * rel_mask[..., None]               # apply relative mask, as in einsum('zab,zabij->zabij')
    nf = jnp.take(features, neighbors, axis=1)    # [C_in, N, K] neighbor-feature gather
    # Factored form of einsum('abij,jab->ia', k, nf) with k = einsum('abk,kij->abij', rbf, W)
    s = jnp.einsum('nkb,jnk->bjn', rbf, nf)       # [B, C_in, N] edge aggregation (memory bound)
    out = jnp.einsum('bij,bjn->in', W, s)         # [C_out, N]
    return out

if __name__ == "__main__":
    import jax
    _d = setup_inputs()
    print(jax.jit(kernel)(*tuple(_d.values())))

</pallas_src>

<mosaic_0001>
#map = affine_map<(d0, d1) -> (0, 0)>
#map1 = affine_map<(d0, d1) -> (0)>
module attributes {stable_mosaic.version = 14 : i64} {
  func.func @_sc_gather_body(%arg0: i32, %arg1: i32, %arg2: memref<10000x128xf32, #tpu.memory_space<hbm>>, %arg3: memref<10000xf32, #tpu.memory_space<hbm>>, %arg4: memref<10000xf32, #tpu.memory_space<hbm>>, %arg5: memref<10000xf32, #tpu.memory_space<hbm>>, %arg6: memref<320000xi32, #tpu.memory_space<hbm>>, %arg7: memref<320000x128xf32, #tpu.memory_space<hbm>>, %arg8: memref<320000xf32, #tpu.memory_space<hbm>>, %arg9: memref<10000xi32, #tpu.memory_space<vmem>>, %arg10: memref<80x128xf32, #tpu.memory_space<vmem>>, %arg11: memref<80x128xf32, #tpu.memory_space<vmem>>, %arg12: memref<80x128xf32, #tpu.memory_space<vmem>>, %arg13: memref<80x128xf32, #tpu.memory_space<vmem>>, %arg14: memref<80xf32, #tpu.memory_space<vmem>>, %arg15: memref<80xf32, #tpu.memory_space<vmem>>, %arg16: memref<80xf32, #tpu.memory_space<vmem>>, %arg17: memref<80xf32, #tpu.memory_space<vmem>>, %arg18: memref<10000xf32, #tpu.memory_space<vmem>>, %arg19: memref<10000xf32, #tpu.memory_space<vmem>>, %arg20: memref<10000xf32, #tpu.memory_space<vmem>>, %arg21: memref<!tpu.dma_semaphore, #tpu.memory_space<semaphore_mem>>, %arg22: memref<!tpu.dma_semaphore, #tpu.memory_space<semaphore_mem>>, %arg23: memref<!tpu.dma_semaphore, #tpu.memory_space<semaphore_mem>>, %arg24: memref<!tpu.dma_semaphore, #tpu.memory_space<semaphore_mem>>, %arg25: memref<!tpu.dma_semaphore, #tpu.memory_space<semaphore_mem>>, %arg26: memref<!tpu.dma_semaphore, #tpu.memory_space<semaphore_mem>>, %arg27: memref<!tpu.dma_semaphore, #tpu.memory_space<semaphore_mem>>, %arg28: memref<!tpu.dma_semaphore, #tpu.memory_space<semaphore_mem>>) attributes {dimension_semantics = [#tpu.dimension_semantics<core_parallel>, #tpu.dimension_semantics<subcore_parallel>], iteration_bounds = array<i64: 2, 16>, scalar_prefetch = 0 : i64, scratch_operands = 20 : i64, tpu.core_type = #tpu.core_type<sc_vector_subcore>, window_params = [{transform_indices = #map}, {transform_indices = #map1}, {transform_indices = #map1}, {transform_indices = #map1}, {transform_indices = #map1}, {transform_indices = #map}, {transform_indices = #map1}]} {
    %mul3A = arith.constant 2 : i32
    %mul3A_0 = arith.muli %arg1, %mul3A : i32
    %add3A = arith.addi %mul3A_0, %arg0 : i32
    %mul3A_1 = arith.constant 10000 : i32
    %mul3A_2 = arith.muli %add3A, %mul3A_1 : i32
    %multiple_of3A = tpu.assume_multiple %mul3A_2, 8 : i32
    "tpu.region"() ({
      %run_scoped3A = tpu.sem_alloc : memref<!tpu.dma_semaphore, #tpu.memory_space<semaphore_mem>>
      %dma_start3A = tpu.memref_slice %arg6[%multiple_of3A] : memref<320000xi32, #tpu.memory_space<hbm>> -> memref<10000xi32, #tpu.memory_space<hbm>>
      %dma_start3A_35 = tpu.memref_slice %arg6[%multiple_of3A] : memref<320000xi32, #tpu.memory_space<hbm>> -> memref<10000xi32, #tpu.memory_space<hbm>>
      tpu.enqueue_dma source(%dma_start3A_35 : memref<10000xi32, #tpu.memory_space<hbm>>) target(%arg9 : memref<10000xi32, #tpu.memory_space<vmem>>) target_semaphore(%run_scoped3A : memref<!tpu.dma_semaphore, #tpu.memory_space<semaphore_mem>>)
      %dma_wait3A_36 = tpu.memref_slice %arg6[%multiple_of3A] : memref<320000xi32, #tpu.memory_space<hbm>> -> memref<10000xi32, #tpu.memory_space<hbm>>
      %dma_wait3A_37 = tpu.memref_slice %arg6[%multiple_of3A] : memref<320000xi32, #tpu.memory_space<hbm>> -> memref<10000xi32, #tpu.memory_space<hbm>>
      tpu.wait_dma2 semaphore(%run_scoped3A : memref<!tpu.dma_semaphore, #tpu.memory_space<semaphore_mem>>) src(%dma_wait3A_37 : memref<10000xi32, #tpu.memory_space<hbm>>) dst(%arg9 : memref<10000xi32, #tpu.memory_space<vmem>>)
      tpu.yield
    }) : () -> ()
    "tpu.region"() ({
      %run_scoped3A = tpu.sem_alloc : memref<!tpu.dma_semaphore, #tpu.memory_space<semaphore_mem>>
      tpu.enqueue_dma source(%arg3 : memref<10000xf32, #tpu.memory_space<hbm>>) target(%arg18 : memref<10000xf32, #tpu.memory_space<vmem>>) target_semaphore(%run_scoped3A : memref<!tpu.dma_semaphore, #tpu.memory_space<semaphore_mem>>)
      tpu.wait_dma2 semaphore(%run_scoped3A : memref<!tpu.dma_semaphore, #tpu.memory_space<semaphore_mem>>) src(%arg3 : memref<10000xf32, #tpu.memory_space<hbm>>) dst(%arg18 : memref<10000xf32, #tpu.memory_space<vmem>>)
      tpu.yield
    }) : () -> ()
    "tpu.region"() ({
      %run_scoped3A = tpu.sem_alloc : memref<!tpu.dma_semaphore, #tpu.memory_space<semaphore_mem>>
      tpu.enqueue_dma source(%arg4 : memref<10000xf32, #tpu.memory_space<hbm>>) target(%arg19 : memref<10000xf32, #tpu.memory_space<vmem>>) target_semaphore(%run_scoped3A : memref<!tpu.dma_semaphore, #tpu.memory_space<semaphore_mem>>)
      tpu.wait_dma2 semaphore(%run_scoped3A : memref<!tpu.dma_semaphore, #tpu.memory_space<semaphore_mem>>) src(%arg4 : memref<10000xf32, #tpu.memory_space<hbm>>) dst(%arg19 : memref<10000xf32, #tpu.memory_space<vmem>>)
      tpu.yield
    }) : () -> ()
    "tpu.region"() ({
      %run_scoped3A = tpu.sem_alloc : memref<!tpu.dma_semaphore, #tpu.memory_space<semaphore_mem>>
      tpu.enqueue_dma source(%arg5 : memref<10000xf32, #tpu.memory_space<hbm>>) target(%arg20 : memref<10000xf32, #tpu.memory_space<vmem>>) target_semaphore(%run_scoped3A : memref<!tpu.dma_semaphore, #tpu.memory_space<semaphore_mem>>)
      tpu.wait_dma2 semaphore(%run_scoped3A : memref<!tpu.dma_semaphore, #tpu.memory_space<semaphore_mem>>) src(%arg5 : memref<10000xf32, #tpu.memory_space<hbm>>) dst(%arg20 : memref<10000xf32, #tpu.memory_space<vmem>>)
      tpu.yield
    }) : () -> ()
    %scan3A = arith.constant 0 : i32
    %scan3A_3 = arith.constant 0 : i32
    %scan3A_4 = arith.constant 32 : i32
    %scan3A_5 = arith.addi %scan3A_3, %scan3A_4 : i32
    %scan3A_6 = arith.constant 1 : i32
    scf.for %scan3A_35 = %scan3A_3 to %scan3A_5 step %scan3A_6  : i32 {
      %mul3A_36 = arith.constant 4 : i32
      %mul3A_37 = arith.muli %mul3A_36, %scan3A_35 : i32
      %add3A_38 = arith.constant 0 : i32
      %add3A_39 = arith.addi %mul3A_37, %add3A_38 : i32
      %lt3A = arith.constant 125 : i32
      %lt3A_40 = arith.cmpi slt, %add3A_39, %lt3A : i32
      %convert_element_type3A = arith.extui %lt3A_40 : i1 to i32
      %cond3A = arith.constant 0 : i32
      %cond3A_41 = arith.cmpi ne, %convert_element_type3A, %cond3A : i32
      scf.if %cond3A_41 {
        %ge3A = arith.constant 4 : i32
        %ge3A_105 = arith.cmpi sge, %add3A_39, %ge3A : i32
        %convert_element_type3A_106 = arith.extui %ge3A_105 : i1 to i32
        %cond3A_107 = arith.constant 0 : i32
        %cond3A_108 = arith.cmpi ne, %convert_element_type3A_106, %cond3A_107 : i32
        scf.if %cond3A_108 {
          %multiple_of3A_114 = tpu.assume_multiple %mul3A_2, 8 : i32
          %dma_wait3A_115 = arith.constant 0 : i32
          %dma_wait3A_116 = tpu.memref_slice %arg7[%multiple_of3A_114, %dma_wait3A_115] : memref<320000x128xf32, #tpu.memory_space<hbm>> -> memref<80x128xf32, #tpu.memory_space<hbm>>
          %dma_wait3A_117 = arith.constant 0 : i32
          %dma_wait3A_118 = tpu.memref_slice %arg7[%multiple_of3A_114, %dma_wait3A_117] : memref<320000x128xf32, #tpu.memory_space<hbm>> -> memref<80x128xf32, #tpu.memory_space<hbm>>
          tpu.wait_dma2 semaphore(%arg25 : memref<!tpu.dma_semaphore, #tpu.memory_space<semaphore_mem>>) src(%arg10 : memref<80x128xf32, #tpu.memory_space<vmem>>) dst(%dma_wait3A_118 : memref<80x128xf32, #tpu.memory_space<hbm>>)
          %dma_wait3A_119 = tpu.memref_slice %arg8[%multiple_of3A_114] : memref<320000xf32, #tpu.memory_space<hbm>> -> memref<80xf32, #tpu.memory_space<hbm>>
          %dma_wait3A_120 = tpu.memref_slice %arg8[%multiple_of3A_114] : memref<320000xf32, #tpu.memory_space<hbm>> -> memref<80xf32, #tpu.memory_space<hbm>>
          tpu.wait_dma2 semaphore(%arg25 : memref<!tpu.dma_semaphore, #tpu.memory_space<semaphore_mem>>) src(%arg14 : memref<80xf32, #tpu.memory_space<vmem>>) dst(%dma_wait3A_120 : memref<80xf32, #tpu.memory_space<hbm>>)
        } else {
        }
        %mul3A_109 = arith.constant 80 : i32
        %mul3A_110 = arith.muli %add3A_39, %mul3A_109 : i32
        %dma_start3A = tpu.memref_slice %arg9[%mul3A_110] : memref<10000xi32, #tpu.memory_space<vmem>> -> memref<80xi32, #tpu.memory_space<vmem>>
        %dma_start3A_111 = arith.constant 0 : i32
        %dma_start3A_112 = arith.constant 0 : i32
        %dma_start3A_113 = tpu.memref_slice %arg2[%dma_start3A_111, %dma_start3A_112] : memref<10000x128xf32, #tpu.memory_space<hbm>> -> memref<10000x128xf32, #tpu.memory_space<hbm>>
        tpu.enqueue_indirect_dma source(%dma_start3A_113 : memref<10000x128xf32, #tpu.memory_space<hbm>>) target(%arg10 : memref<80x128xf32, #tpu.memory_space<vmem>>) offsets(%dma_start3A : memref<80xi32, #tpu.memory_space<vmem>>) semaphore(%arg21 : memref<!tpu.dma_semaphore, #tpu.memory_space<semaphore_mem>>)
      } else {
      }
      %mul3A_42 = arith.constant 4 : i32
      %mul3A_43 = arith.muli %mul3A_42, %scan3A_35 : i32
      %add3A_44 = arith.constant 1 : i32
      %add3A_45 = arith.addi %mul3A_43, %add3A_44 : i32
      %lt3A_46 = arith.constant 125 : i32
      %lt3A_47 = arith.cmpi slt, %add3A_45, %lt3A_46 : i32
      %convert_element_type3A_48 = arith.extui %lt3A_47 : i1 to i32
      %cond3A_49 = arith.constant 0 : i32
      %cond3A_50 = arith.cmpi ne, %convert_element_type3A_48, %cond3A_49 : i32
      scf.if %cond3A_50 {
        %ge3A = arith.constant 4 : i32
        %ge3A_105 = arith.cmpi sge, %add3A_45, %ge3A : i32
        %convert_element_type3A_106 = arith.extui %ge3A_105 : i1 to i32
        %cond3A_107 = arith.constant 0 : i32
        %cond3A_108 = arith.cmpi ne, %convert_element_type3A_106, %cond3A_107 : i32
        scf.if %cond3A_108 {
          %multiple_of3A_114 = tpu.assume_multiple %mul3A_2, 8 : i32
          %dma_wait3A_115 = arith.constant 0 : i32
          %dma_wait3A_116 = tpu.memref_slice %arg7[%multiple_of3A_114, %dma_wait3A_115] : memref<320000x128xf32, #tpu.memory_space<hbm>> -> memref<80x128xf32, #tpu.memory_space<hbm>>
          %dma_wait3A_117 = arith.constant 0 : i32
          %dma_wait3A_118 = tpu.memref_slice %arg7[%multiple_of3A_114, %dma_wait3A_117] : memref<320000x128xf32, #tpu.memory_space<hbm>> -> memref<80x128xf32, #tpu.memory_space<hbm>>
          tpu.wait_dma2 semaphore(%arg26 : memref<!tpu.dma_semaphore, #tpu.memory_space<semaphore_mem>>) src(%arg11 : memref<80x128xf32, #tpu.memory_space<vmem>>) dst(%dma_wait3A_118 : memref<80x128xf32, #tpu.memory_space<hbm>>)
          %dma_wait3A_119 = tpu.memref_slice %arg8[%multiple_of3A_114] : memref<320000xf32, #tpu.memory_space<hbm>> -> memref<80xf32, #tpu.memory_space<hbm>>
          %dma_wait3A_120 = tpu.memref_slice %arg8[%multiple_of3A_114] : memref<320000xf32, #tpu.memory_space<hbm>> -> memref<80xf32, #tpu.memory_space<hbm>>
          tpu.wait_dma2 semaphore(%arg26 : memref<!tpu.dma_semaphore, #tpu.memory_space<semaphore_mem>>) src(%arg15 : memref<80xf32, #tpu.memory_space<vmem>>) dst(%dma_wait3A_120 : memref<80xf32, #tpu.memory_space<hbm>>)
        } else {
        }
        %mul3A_109 = arith.constant 80 : i32
        %mul3A_110 = arith.muli %add3A_45, %mul3A_109 : i32
        %dma_start3A = tpu.memref_slice %arg9[%mul3A_110] : memref<10000xi32, #tpu.memory_space<vmem>> -> memref<80xi32, #tpu.memory_space<vmem>>
        %dma_start3A_111 = arith.constant 0 : i32
        %dma_start3A_112 = arith.constant 0 : i32
        %dma_start3A_113 = tpu.memref_slice %arg2[%dma_start3A_111, %dma_start3A_112] : memref<10000x128xf32, #tpu.memory_space<hbm>> -> memref<10000x128xf32, #tpu.memory_space<hbm>>
        tpu.enqueue_indirect_dma source(%dma_start3A_113 : memref<10000x128xf32, #tpu.memory_space<hbm>>) target(%arg11 : memref<80x128xf32, #tpu.memory_space<vmem>>) offsets(%dma_start3A : memref<80xi32, #tpu.memory_space<vmem>>) semaphore(%arg22 : memref<!tpu.dma_semaphore, #tpu.memory_space<semaphore_mem>>)
      } else {
      }
      %mul3A_51 = arith.constant 4 : i32
      %mul3A_52 = arith.muli %mul3A_51, %scan3A_35 : i32
      %add3A_53 = arith.constant 2 : i32
      %add3A_54 = arith.addi %mul3A_52, %add3A_53 : i32
      %lt3A_55 = arith.constant 125 : i32
      %lt3A_56 = arith.cmpi slt, %add3A_54, %lt3A_55 : i32
      %convert_element_type3A_57 = arith.extui %lt3A_56 : i1 to i32
      %cond3A_58 = arith.constant 0 : i32
      %cond3A_59 = arith.cmpi ne, %convert_element_type3A_57, %cond3A_58 : i32
      scf.if %cond3A_59 {
        %ge3A = arith.constant 4 : i32
        %ge3A_105 = arith.cmpi sge, %add3A_54, %ge3A : i32
        %convert_element_type3A_106 = arith.extui %ge3A_105 : i1 to i32
        %cond3A_107 = arith.constant 0 : i32
        %cond3A_108 = arith.cmpi ne, %convert_element_type3A_106, %cond3A_107 : i32
        scf.if %cond3A_108 {
          %multiple_of3A_114 = tpu.assume_multiple %mul3A_2, 8 : i32
          %dma_wait3A_115 = arith.constant 0 : i32
          %dma_wait3A_116 = tpu.memref_slice %arg7[%multiple_of3A_114, %dma_wait3A_115] : memref<320000x128xf32, #tpu.memory_space<hbm>> -> memref<80x128xf32, #tpu.memory_space<hbm>>
          %dma_wait3A_117 = arith.constant 0 : i32
          %dma_wait3A_118 = tpu.memref_slice %arg7[%multiple_of3A_114, %dma_wait3A_117] : memref<320000x128xf32, #tpu.memory_space<hbm>> -> memref<80x128xf32, #tpu.memory_space<hbm>>
          tpu.wait_dma2 semaphore(%arg27 : memref<!tpu.dma_semaphore, #tpu.memory_space<semaphore_mem>>) src(%arg12 : memref<80x128xf32, #tpu.memory_space<vmem>>) dst(%dma_wait3A_118 : memref<80x128xf32, #tpu.memory_space<hbm>>)
          %dma_wait3A_119 = tpu.memref_slice %arg8[%multiple_of3A_114] : memref<320000xf32, #tpu.memory_space<hbm>> -> memref<80xf32, #tpu.memory_space<hbm>>
          %dma_wait3A_120 = tpu.memref_slice %arg8[%multiple_of3A_114] : memref<320000xf32, #tpu.memory_space<hbm>> -> memref<80xf32, #tpu.memory_space<hbm>>
          tpu.wait_dma2 semaphore(%arg27 : memref<!tpu.dma_semaphore, #tpu.memory_space<semaphore_mem>>) src(%arg16 : memref<80xf32, #tpu.memory_space<vmem>>) dst(%dma_wait3A_120 : memref<80xf32, #tpu.memory_space<hbm>>)
        } else {
        }
        %mul3A_109 = arith.constant 80 : i32
        %mul3A_110 = arith.muli %add3A_54, %mul3A_109 : i32
        %dma_start3A = tpu.memref_slice %arg9[%mul3A_110] : memref<10000xi32, #tpu.memory_space<vmem>> -> memref<80xi32, #tpu.memory_space<vmem>>
        %dma_start3A_111 = arith.constant 0 : i32
        %dma_start3A_112 = arith.constant 0 : i32
        %dma_start3A_113 = tpu.memref_slice %arg2[%dma_start3A_111, %dma_start3A_112] : memref<10000x128xf32, #tpu.memory_space<hbm>> -> memref<10000x128xf32, #tpu.memory_space<hbm>>
        tpu.enqueue_indirect_dma source(%dma_start3A_113 : memref<10000x128xf32, #tpu.memory_space<hbm>>) target(%arg12 : memref<80x128xf32, #tpu.memory_space<vmem>>) offsets(%dma_start3A : memref<80xi32, #tpu.memory_space<vmem>>) semaphore(%arg23 : memref<!tpu.dma_semaphore, #tpu.memory_space<semaphore_mem>>)
      } else {
      }
      %mul3A_60 = arith.constant 4 : i32
      %mul3A_61 = arith.muli %mul3A_60, %scan3A_35 : i32
      %add3A_62 = arith.constant 3 : i32
      %add3A_63 = arith.addi %mul3A_61, %add3A_62 : i32
      %lt3A_64 = arith.constant 125 : i32
      %lt3A_65 = arith.cmpi slt, %add3A_63, %lt3A_64 : i32
      %convert_element_type3A_66 = arith.extui %lt3A_65 : i1 to i32
      %cond3A_67 = arith.constant 0 : i32
      %cond3A_68 = arith.cmpi ne, %convert_element_type3A_66, %cond3A_67 : i32
      scf.if %cond3A_68 {
        %ge3A = arith.constant 4 : i32
        %ge3A_105 = arith.cmpi sge, %add3A_63, %ge3A : i32
        %convert_element_type3A_106 = arith.extui %ge3A_105 : i1 to i32
        %cond3A_107 = arith.constant 0 : i32
        %cond3A_108 = arith.cmpi ne, %convert_element_type3A_106, %cond3A_107 : i32
        scf.if %cond3A_108 {
          %multiple_of3A_114 = tpu.assume_multiple %mul3A_2, 8 : i32
          %dma_wait3A_115 = arith.constant 0 : i32
          %dma_wait3A_116 = tpu.memref_slice %arg7[%multiple_of3A_114, %dma_wait3A_115] : memref<320000x128xf32, #tpu.memory_space<hbm>> -> memref<80x128xf32, #tpu.memory_space<hbm>>
          %dma_wait3A_117 = arith.constant 0 : i32
          %dma_wait3A_118 = tpu.memref_slice %arg7[%multiple_of3A_114, %dma_wait3A_117] : memref<320000x128xf32, #tpu.memory_space<hbm>> -> memref<80x128xf32, #tpu.memory_space<hbm>>
          tpu.wait_dma2 semaphore(%arg28 : memref<!tpu.dma_semaphore, #tpu.memory_space<semaphore_mem>>) src(%arg13 : memref<80x128xf32, #tpu.memory_space<vmem>>) dst(%dma_wait3A_118 : memref<80x128xf32, #tpu.memory_space<hbm>>)
          %dma_wait3A_119 = tpu.memref_slice %arg8[%multiple_of3A_114] : memref<320000xf32, #tpu.memory_space<hbm>> -> memref<80xf32, #tpu.memory_space<hbm>>
          %dma_wait3A_120 = tpu.memref_slice %arg8[%multiple_of3A_114] : memref<320000xf32, #tpu.memory_space<hbm>> -> memref<80xf32, #tpu.memory_space<hbm>>
          tpu.wait_dma2 semaphore(%arg28 : memref<!tpu.dma_semaphore, #tpu.memory_space<semaphore_mem>>) src(%arg17 : memref<80xf32, #tpu.memory_space<vmem>>) dst(%dma_wait3A_120 : memref<80xf32, #tpu.memory_space<hbm>>)
        } else {
        }
        %mul3A_109 = arith.constant 80 : i32
        %mul3A_110 = arith.muli %add3A_63, %mul3A_109 : i32
        %dma_start3A = tpu.memref_slice %arg9[%mul3A_110] : memref<10000xi32, #tpu.memory_space<vmem>> -> memref<80xi32, #tpu.memory_space<vmem>>
        %dma_start3A_111 = arith.constant 0 : i32
        %dma_start3A_112 = arith.constant 0 : i32
        %dma_start3A_113 = tpu.memref_slice %arg2[%dma_start3A_111, %dma_start3A_112] : memref<10000x128xf32, #tpu.memory_space<hbm>> -> memref<10000x128xf32, #tpu.memory_space<hbm>>
        tpu.enqueue_indirect_dma source(%dma_start3A_113 : memref<10000x128xf32, #tpu.memory_space<hbm>>) target(%arg13 : memref<80x128xf32, #tpu.memory_space<vmem>>) offsets(%dma_start3A : memref<80xi32, #tpu.memory_space<vmem>>) semaphore(%arg24 : memref<!tpu.dma_semaphore, #tpu.memory_space<semaphore_mem>>)
      } else {
      }
      %mul3A_69 = arith.constant 4 : i32
      %mul3A_70 = arith.muli %mul3A_69, %scan3A_35 : i32
      %add3A_71 = arith.constant 0 : i32
      %add3A_72 = arith.addi %mul3A_70, %add3A_71 : i32
      %lt3A_73 = arith.constant 125 : i32
      %lt3A_74 = arith.cmpi slt, %add3A_72, %lt3A_73 : i32
      %convert_element_type3A_75 = arith.extui %lt3A_74 : i1 to i32
      %cond3A_76 = arith.constant 0 : i32
      %cond3A_77 = arith.cmpi ne, %convert_element_type3A_75, %cond3A_76 : i32
      scf.if %cond3A_77 {
        %mul3A_105 = arith.constant 80 : i32
        %mul3A_106 = arith.muli %add3A_72, %mul3A_105 : i32
        %add3A_107 = arith.constant 0 : i32
        %add3A_108 = arith.addi %mul3A_106, %add3A_107 : i32
        %get3A = arith.index_cast %add3A_108 : i32 to index
        %get3A_109 = tpu.vector_load %arg9[%get3A] {strides = array<i32>} : memref<10000xi32, #tpu.memory_space<vmem>>, vector<16xi32>,
        %add3A_110 = arith.constant 0 : i32
        %add3A_111 = arith.addi %add3A_110, %mul3A_2 : i32
        %add3A_112 = arith.addi %add3A_111, %add3A_108 : i32
        %iota3A = tpu.iota {dimensions = array<i32: 0>} : vector<16xi32>
        %add3A_113 = vector.broadcast %add3A_112 : i32 to vector<16xi32>
        %add3A_114 = arith.addi %add3A_113, %iota3A : vector<16xi32>
        %shift_right_logical3A = arith.constant 5 : i32
        %shift_right_logical3A_115 = vector.broadcast %shift_right_logical3A : i32 to vector<16xi32>
        %shift_right_logical3A_116 = arith.shrui %add3A_114, %shift_right_logical3A_115 : vector<16xi32>
        %gather3A = tpu.vector_load_idx %arg18[%get3A_109] : memref<10000xf32, #tpu.memory_space<vmem>>[vector<16xi32>], vector<16xf32>,
        %gather3A_117 = tpu.vector_load_idx %arg18[%shift_right_logical3A_116] : memref<10000xf32, #tpu.memory_space<vmem>>[vector<16xi32>], vector<16xf32>,
        %sub3A = arith.subf %gather3A, %gather3A_117 : vector<16xf32>
        %gather3A_118 = tpu.vector_load_idx %arg19[%get3A_109] : memref<10000xf32, #tpu.memory_space<vmem>>[vector<16xi32>], vector<16xf32>,
        %gather3A_119 = tpu.vector_load_idx %arg19[%shift_right_logical3A_116] : memref<10000xf32, #tpu.memory_space<vmem>>[vector<16xi32>], vector<16xf32>,
        %sub3A_120 = arith.subf %gather3A_118, %gather3A_119 : vector<16xf32>
        %gather3A_121 = tpu.vector_load_idx %arg20[%get3A_109] : memref<10000xf32, #tpu.memory_space<vmem>>[vector<16xi32>], vector<16xf32>,
        %gather3A_122 = tpu.vector_load_idx %arg20[%shift_right_logical3A_116] : memref<10000xf32, #tpu.memory_space<vmem>>[vector<16xi32>], vector<16xf32>,
        %sub3A_123 = arith.subf %gather3A_121, %gather3A_122 : vector<16xf32>
        %mul3A_124 = arith.mulf %sub3A, %sub3A : vector<16xf32>
        %mul3A_125 = arith.mulf %sub3A_120, %sub3A_120 : vector<16xf32>
        %add3A_126 = arith.addf %mul3A_124, %mul3A_125 : vector<16xf32>
        %mul3A_127 = arith.mulf %sub3A_123, %sub3A_123 : vector<16xf32>
        %add3A_128 = arith.addf %add3A_126, %mul3A_127 : vector<16xf32>
        %swap3A = arith.constant 0 : index
        %swap3A_129 = tpu.vector_load %arg14[%swap3A] {strides = array<i32>} : memref<80xf32, #tpu.memory_space<vmem>>, vector<16xf32>,
        tpu.vector_store %arg14[%swap3A], %add3A_128 {strides = array<i32>} : memref<80xf32, #tpu.memory_space<vmem>>, vector<16xf32>,
        %mul3A_130 = arith.constant 80 : i32
        %mul3A_131 = arith.muli %add3A_72, %mul3A_130 : i32
        %add3A_132 = arith.constant 16 : i32
        %add3A_133 = arith.addi %mul3A_131, %add3A_132 : i32
        %get3A_134 = arith.index_cast %add3A_133 : i32 to index
        %get3A_135 = tpu.vector_load %arg9[%get3A_134] {strides = array<i32>} : memref<10000xi32, #tpu.memory_space<vmem>>, vector<16xi32>,
        %add3A_136 = arith.constant 0 : i32
        %add3A_137 = arith.addi %add3A_136, %mul3A_2 : i32
        %add3A_138 = arith.addi %add3A_137, %add3A_133 : i32
        %iota3A_139 = tpu.iota {dimensions = array<i32: 0>} : vector<16xi32>
        %add3A_140 = vector.broadcast %add3A_138 : i32 to vector<16xi32>
        %add3A_141 = arith.addi %add3A_140, %iota3A_139 : vector<16xi32>
        %shift_right_logical3A_142 = arith.constant 5 : i32
        %shift_right_logical3A_143 = vector.broadcast %shift_right_logical3A_142 : i32 to vector<16xi32>
        %shift_right_logical3A_144 = arith.shrui %add3A_141, %shift_right_logical3A_143 : vector<16xi32>
        %gather3A_145 = tpu.vector_load_idx %arg18[%get3A_135] : memref<10000xf32, #tpu.memory_space<vmem>>[vector<16xi32>], vector<16xf32>,
        %gather3A_146 = tpu.vector_load_idx %arg18[%shift_right_logical3A_144] : memref<10000xf32, #tpu.memory_space<vmem>>[vector<16xi32>], vector<16xf32>,
        %sub3A_147 = arith.subf %gather3A_145, %gather3A_146 : vector<16xf32>
        %gather3A_148 = tpu.vector_load_idx %arg19[%get3A_135] : memref<10000xf32, #tpu.memory_space<vmem>>[vector<16xi32>], vector<16xf32>,
        %gather3A_149 = tpu.vector_load_idx %arg19[%shift_right_logical3A_144] : memref<10000xf32, #tpu.memory_space<vmem>>[vector<16xi32>], vector<16xf32>,
        %sub3A_150 = arith.subf %gather3A_148, %gather3A_149 : vector<16xf32>
        %gather3A_151 = tpu.vector_load_idx %arg20[%get3A_135] : memref<10000xf32, #tpu.memory_space<vmem>>[vector<16xi32>], vector<16xf32>,
        %gather3A_152 = tpu.vector_load_idx %arg20[%shift_right_logical3A_144] : memref<10000xf32, #tpu.memory_space<vmem>>[vector<16xi32>], vector<16xf32>,
        %sub3A_153 = arith.subf %gather3A_151, %gather3A_152 : vector<16xf32>
        %mul3A_154 = arith.mulf %sub3A_147, %sub3A_147 : vector<16xf32>
        %mul3A_155 = arith.mulf %sub3A_150, %sub3A_150 : vector<16xf32>
        %add3A_156 = arith.addf %mul3A_154, %mul3A_155 : vector<16xf32>
        %mul3A_157 = arith.mulf %sub3A_153, %sub3A_153 : vector<16xf32>
        %add3A_158 = arith.addf %add3A_156, %mul3A_157 : vector<16xf32>
        %swap3A_159 = arith.constant 16 : index
        %swap3A_160 = tpu.vector_load %arg14[%swap3A_159] {strides = array<i32>} : memref<80xf32, #tpu.memory_space<vmem>>, vector<16xf32>,
        tpu.vector_store %arg14[%swap3A_159], %add3A_158 {strides = array<i32>} : memref<80xf32, #tpu.memory_space<vmem>>, vector<16xf32>,
        %mul3A_161 = arith.constant 80 : i32
        %mul3A_162 = arith.muli %add3A_72, %mul3A_161 : i32
        %add3A_163 = arith.constant 32 : i32
        %add3A_164 = arith.addi %mul3A_162, %add3A_163 : i32
        %get3A_165 = arith.index_cast %add3A_164 : i32 to index
        %get3A_166 = tpu.vector_load %arg9[%get3A_165] {strides = array<i32>} : memref<10000xi32, #tpu.memory_space<vmem>>, vector<16xi32>,
        %add3A_167 = arith.constant 0 : i32
        %add3A_168 = arith.addi %add3A_167, %mul3A_2 : i32
        %add3A_169 = arith.addi %add3A_168, %add3A_164 : i32
        %iota3A_170 = tpu.iota {dimensions = array<i32: 0>} : vector<16xi32>
        %add3A_171 = vector.broadcast %add3A_169 : i32 to vector<16xi32>
        %add3A_172 = arith.addi %add3A_171, %iota3A_170 : vector<16xi32>
        %shift_right_logical3A_173 = arith.constant 5 : i32
        %shift_right_logical3A_174 = vector.broadcast %shift_right_logical3A_173 : i32 to vector<16xi32>
        %shift_right_logical3A_175 = arith.shrui %add3A_172, %shift_right_logical3A_174 : vector<16xi32>
        %gather3A_176 = tpu.vector_load_idx %arg18[%get3A_166] : memref<10000xf32, #tpu.memory_space<vmem>>[vector<16xi32>], vector<16xf32>,
        %gather3A_177 = tpu.vector_load_idx %arg18[%shift_right_logical3A_175] : memref<10000xf32, #tpu.memory_space<vmem>>[vector<16xi32>], vector<16xf32>,
        %sub3A_178 = arith.subf %gather3A_176, %gather3A_177 : vector<16xf32>
        %gather3A_179 = tpu.vector_load_idx %arg19[%get3A_166] : memref<10000xf32, #tpu.memory_space<vmem>>[vector<16xi32>], vector<16xf32>,
        %gather3A_180 = tpu.vector_load_idx %arg19[%shift_right_logical3A_175] : memref<10000xf32, #tpu.memory_space<vmem>>[vector<16xi32>], vector<16xf32>,
        %sub3A_181 = arith.subf %gather3A_179, %gather3A_180 : vector<16xf32>
        %gather3A_182 = tpu.vector_load_idx %arg20[%get3A_166] : memref<10000xf32, #tpu.memory_space<vmem>>[vector<16xi32>], vector<16xf32>,
        %gather3A_183 = tpu.vector_load_idx %arg20[%shift_right_logical3A_175] : memref<10000xf32, #tpu.memory_space<vmem>>[vector<16xi32>], vector<16xf32>,
        %sub3A_184 = arith.subf %gather3A_182, %gather3A_183 : vector<16xf32>
        %mul3A_185 = arith.mulf %sub3A_178, %sub3A_178 : vector<16xf32>
        %mul3A_186 = arith.mulf %sub3A_181, %sub3A_181 : vector<16xf32>
        %add3A_187 = arith.addf %mul3A_185, %mul3A_186 : vector<16xf32>
        %mul3A_188 = arith.mulf %sub3A_184, %sub3A_184 : vector<16xf32>
        %add3A_189 = arith.addf %add3A_187, %mul3A_188 : vector<16xf32>
        %swap3A_190 = arith.constant 32 : index
        %swap3A_191 = tpu.vector_load %arg14[%swap3A_190] {strides = array<i32>} : memref<80xf32, #tpu.memory_space<vmem>>, vector<16xf32>,
        tpu.vector_store %arg14[%swap3A_190], %add3A_189 {strides = array<i32>} : memref<80xf32, #tpu.memory_space<vmem>>, vector<16xf32>,
        %mul3A_192 = arith.constant 80 : i32
        %mul3A_193 = arith.muli %add3A_72, %mul3A_192 : i32
        %add3A_194 = arith.constant 48 : i32
        %add3A_195 = arith.addi %mul3A_193, %add3A_194 : i32
        %get3A_196 = arith.index_cast %add3A_195 : i32 to index
        %get3A_197 = tpu.vector_load %arg9[%get3A_196] {strides = array<i32>} : memref<10000xi32, #tpu.memory_space<vmem>>, vector<16xi32>,
        %add3A_198 = arith.constant 0 : i32
        %add3A_199 = arith.addi %add3A_198, %mul3A_2 : i32
        %add3A_200 = arith.addi %add3A_199, %add3A_195 : i32
        %iota3A_201 = tpu.iota {dimensions = array<i32: 0>} : vector<16xi32>
        %add3A_202 = vector.broadcast %add3A_200 : i32 to vector<16xi32>
        %add3A_203 = arith.addi %add3A_202, %iota3A_201 : vector<16xi32>
        %shift_right_logical3A_204 = arith.constant 5 : i32
        %shift_right_logical3A_205 = vector.broadcast %shift_right_logical3A_204 : i32 to vector<16xi32>
        %shift_right_logical3A_206 = arith.shrui %add3A_203, %shift_right_logical3A_205 : vector<16xi32>
        %gather3A_207 = tpu.vector_load_idx %arg18[%get3A_197] : memref<10000xf32, #tpu.memory_space<vmem>>[vector<16xi32>], vector<16xf32>,
        %gather3A_208 = tpu.vector_load_idx %arg18[%shift_right_logical3A_206] : memref<10000xf32, #tpu.memory_space<vmem>>[vector<16xi32>], vector<16xf32>,
        %sub3A_209 = arith.subf %gather3A_207, %gather3A_208 : vector<16xf32>
        %gather3A_210 = tpu.vector_load_idx %arg19[%get3A_197] : memref<10000xf32, #tpu.memory_space<vmem>>[vector<16xi32>], vector<16xf32>,
        %gather3A_211 = tpu.vector_load_idx %arg19[%shift_right_logical3A_206] : memref<10000xf32, #tpu.memory_space<vmem>>[vector<16xi32>], vector<16xf32>,
        %sub3A_212 = arith.subf %gather3A_210, %gather3A_211 : vector<16xf32>
        %gather3A_213 = tpu.vector_load_idx %arg20[%get3A_197] : memref<10000xf32, #tpu.memory_space<vmem>>[vector<16xi32>], vector<16xf32>,
        %gather3A_214 = tpu.vector_load_idx %arg20[%shift_right_logical3A_206] : memref<10000xf32, #tpu.memory_space<vmem>>[vector<16xi32>], vector<16xf32>,
        %sub3A_215 = arith.subf %gather3A_213, %gather3A_214 : vector<16xf32>
        %mul3A_216 = arith.mulf %sub3A_209, %sub3A_209 : vector<16xf32>
        %mul3A_217 = arith.mulf %sub3A_212, %sub3A_212 : vector<16xf32>
        %add3A_218 = arith.addf %mul3A_216, %mul3A_217 : vector<16xf32>
        %mul3A_219 = arith.mulf %sub3A_215, %sub3A_215 : vector<16xf32>
        %add3A_220 = arith.addf %add3A_218, %mul3A_219 : vector<16xf32>
        %swap3A_221 = arith.constant 48 : index
        %swap3A_222 = tpu.vector_load %arg14[%swap3A_221] {strides = array<i32>} : memref<80xf32, #tpu.memory_space<vmem>>, vector<16xf32>,
        tpu.vector_store %arg14[%swap3A_221], %add3A_220 {strides = array<i32>} : memref<80xf32, #tpu.memory_space<vmem>>, vector<16xf32>,
        %mul3A_223 = arith.constant 80 : i32
        %mul3A_224 = arith.muli %add3A_72, %mul3A_223 : i32
        %add3A_225 = arith.constant 64 : i32
        %add3A_226 = arith.addi %mul3A_224, %add3A_225 : i32
        %get3A_227 = arith.index_cast %add3A_226 : i32 to index
        %get3A_228 = tpu.vector_load %arg9[%get3A_227] {strides = array<i32>} : memref<10000xi32, #tpu.memory_space<vmem>>, vector<16xi32>,
        %add3A_229 = arith.constant 0 : i32
        %add3A_230 = arith.addi %add3A_229, %mul3A_2 : i32
        %add3A_231 = arith.addi %add3A_230, %add3A_226 : i32
        %iota3A_232 = tpu.iota {dimensions = array<i32: 0>} : vector<16xi32>
        %add3A_233 = vector.broadcast %add3A_231 : i32 to vector<16xi32>
        %add3A_234 = arith.addi %add3A_233, %iota3A_232 : vector<16xi32>
        %shift_right_logical3A_235 = arith.constant 5 : i32
        %shift_right_logical3A_236 = vector.broadcast %shift_right_logical3A_235 : i32 to vector<16xi32>
        %shift_right_logical3A_237 = arith.shrui %add3A_234, %shift_right_logical3A_236 : vector<16xi32>
        %gather3A_238 = tpu.vector_load_idx %arg18[%get3A_228] : memref<10000xf32, #tpu.memory_space<vmem>>[vector<16xi32>], vector<16xf32>,
        %gather3A_239 = tpu.vector_load_idx %arg18[%shift_right_logical3A_237] : memref<10000xf32, #tpu.memory_space<vmem>>[vector<16xi32>], vector<16xf32>,
        %sub3A_240 = arith.subf %gather3A_238, %gather3A_239 : vector<16xf32>
        %gather3A_241 = tpu.vector_load_idx %arg19[%get3A_228] : memref<10000xf32, #tpu.memory_space<vmem>>[vector<16xi32>], vector<16xf32>,
        %gather3A_242 = tpu.vector_load_idx %arg19[%shift_right_logical3A_237] : memref<10000xf32, #tpu.memory_space<vmem>>[vector<16xi32>], vector<16xf32>,
        %sub3A_243 = arith.subf %gather3A_241, %gather3A_242 : vector<16xf32>
        %gather3A_244 = tpu.vector_load_idx %arg20[%get3A_228] : memref<10000xf32, #tpu.memory_space<vmem>>[vector<16xi32>], vector<16xf32>,
        %gather3A_245 = tpu.vector_load_idx %arg20[%shift_right_logical3A_237] : memref<10000xf32, #tpu.memory_space<vmem>>[vector<16xi32>], vector<16xf32>,
        %sub3A_246 = arith.subf %gather3A_244, %gather3A_245 : vector<16xf32>
        %mul3A_247 = arith.mulf %sub3A_240, %sub3A_240 : vector<16xf32>
        %mul3A_248 = arith.mulf %sub3A_243, %sub3A_243 : vector<16xf32>
        %add3A_249 = arith.addf %mul3A_247, %mul3A_248 : vector<16xf32>
        %mul3A_250 = arith.mulf %sub3A_246, %sub3A_246 : vector<16xf32>
        %add3A_251 = arith.addf %add3A_249, %mul3A_250 : vector<16xf32>
        %swap3A_252 = arith.constant 64 : index
        %swap3A_253 = tpu.vector_load %arg14[%swap3A_252] {strides = array<i32>} : memref<80xf32, #tpu.memory_space<vmem>>, vector<16xf32>,
        tpu.vector_store %arg14[%swap3A_252], %add3A_251 {strides = array<i32>} : memref<80xf32, #tpu.memory_space<vmem>>, vector<16xf32>,
        %mul3A_254 = arith.constant 80 : i32
        %mul3A_255 = arith.muli %add3A_72, %mul3A_254 : i32
        %dma_wait3A_256 = tpu.memref_slice %arg9[%mul3A_255] : memref<10000xi32, #tpu.memory_space<vmem>> -> memref<80xi32, #tpu.memory_space<vmem>>
        %dma_wait3A_257 = arith.constant 0 : i32
        %dma_wait3A_258 = arith.constant 0 : i32
        %dma_wait3A_259 = tpu.memref_slice %arg2[%dma_wait3A_257, %dma_wait3A_258] : memref<10000x128xf32, #tpu.memory_space<hbm>> -> memref<10000x128xf32, #tpu.memory_space<hbm>>
        tpu.wait_indirect_dma semaphore(%arg21 : memref<!tpu.dma_semaphore, #tpu.memory_space<semaphore_mem>>) src(%dma_wait3A_259 : memref<10000x128xf32, #tpu.memory_space<hbm>>) dst(%arg10 : memref<80x128xf32, #tpu.memory_space<vmem>>)
        %mul3A_260 = arith.constant 80 : i32
        %mul3A_261 = arith.muli %add3A_72, %mul3A_260 : i32
        %add3A_262 = arith.addi %mul3A_2, %mul3A_261 : i32
        %multiple_of3A_263 = tpu.assume_multiple %add3A_262, 8 : i32
        %dma_start3A = arith.constant 0 : i32
        %dma_start3A_264 = tpu.memref_slice %arg7[%multiple_of3A_263, %dma_start3A] : memref<320000x128xf32, #tpu.memory_space<hbm>> -> memref<80x128xf32, #tpu.memory_space<hbm>>
        %dma_start3A_265 = arith.constant 0 : i32
        %dma_start3A_266 = tpu.memref_slice %arg7[%multiple_of3A_263, %dma_start3A_265] : memref<320000x128xf32, #tpu.memory_space<hbm>> -> memref<80x128xf32, #tpu.memory_space<hbm>>
        tpu.enqueue_dma source(%arg10 : memref<80x128xf32, #tpu.memory_space<vmem>>) target(%dma_start3A_266 : memref<80x128xf32, #tpu.memory_space<hbm>>) target_semaphore(%arg25 : memref<!tpu.dma_semaphore, #tpu.memory_space<semaphore_mem>>)
        %dma_start3A_267 = tpu.memref_slice %arg8[%multiple_of3A_263] : memref<320000xf32, #tpu.memory_space<hbm>> -> memref<80xf32, #tpu.memory_space<hbm>>
        %dma_start3A_268 = tpu.memref_slice %arg8[%multiple_of3A_263] : memref<320000xf32, #tpu.memory_space<hbm>> -> memref<80xf32, #tpu.memory_space<hbm>>
        tpu.enqueue_dma source(%arg14 : memref<80xf32, #tpu.memory_space<vmem>>) target(%dma_start3A_268 : memref<80xf32, #tpu.memory_space<hbm>>) target_semaphore(%arg25 : memref<!tpu.dma_semaphore, #tpu.memory_space<semaphore_mem>>)
      } else {
      }
      %mul3A_78 = arith.constant 4 : i32
      %mul3A_79 = arith.muli %mul3A_78, %scan3A_35 : i32
      %add3A_80 = arith.constant 1 : i32
      %add3A_81 = arith.addi %mul3A_79, %add3A_80 : i32
      %lt3A_82 = arith.constant 125 : i32
      %lt3A_83 = arith.cmpi slt, %add3A_81, %lt3A_82 : i32
      %convert_element_type3A_84 = arith.extui %lt3A_83 : i1 to i32
      %cond3A_85 = arith.constant 0 : i32
      %cond3A_86 = arith.cmpi ne, %convert_element_type3A_84, %cond3A_85 : i32
      scf.if %cond3A_86 {
        %mul3A_105 = arith.constant 80 : i32
        %mul3A_106 = arith.muli %add3A_81, %mul3A_105 : i32
        %add3A_107 = arith.constant 0 : i32
        %add3A_108 = arith.addi %mul3A_106, %add3A_107 : i32
        %get3A = arith.index_cast %add3A_108 : i32 to index
        %get3A_109 = tpu.vector_load %arg9[%get3A] {strides = array<i32>} : memref<10000xi32, #tpu.memory_space<vmem>>, vector<16xi32>,
        %add3A_110 = arith.constant 0 : i32
        %add3A_111 = arith.addi %add3A_110, %mul3A_2 : i32
        %add3A_112 = arith.addi %add3A_111, %add3A_108 : i32
        %iota3A = tpu.iota {dimensions = array<i32: 0>} : vector<16xi32>
        %add3A_113 = vector.broadcast %add3A_112 : i32 to vector<16xi32>
        %add3A_114 = arith.addi %add3A_113, %iota3A : vector<16xi32>
        %shift_right_logical3A = arith.constant 5 : i32
        %shift_right_logical3A_115 = vector.broadcast %shift_right_logical3A : i32 to vector<16xi32>
        %shift_right_logical3A_116 = arith.shrui %add3A_114, %shift_right_logical3A_115 : vector<16xi32>
        %gather3A = tpu.vector_load_idx %arg18[%get3A_109] : memref<10000xf32, #tpu.memory_space<vmem>>[vector<16xi32>], vector<16xf32>,
        %gather3A_117 = tpu.vector_load_idx %arg18[%shift_right_logical3A_116] : memref<10000xf32, #tpu.memory_space<vmem>>[vector<16xi32>], vector<16xf32>,
        %sub3A = arith.subf %gather3A, %gather3A_117 : vector<16xf32>
        %gather3A_118 = tpu.vector_load_idx %arg19[%get3A_109] : memref<10000xf32, #tpu.memory_space<vmem>>[vector<16xi32>], vector<16xf32>,
        %gather3A_119 = tpu.vector_load_idx %arg19[%shift_right_logical3A_116] : memref<10000xf32, #tpu.memory_space<vmem>>[vector<16xi32>], vector<16xf32>,
        %sub3A_120 = arith.subf %gather3A_118, %gather3A_119 : vector<16xf32>
        %gather3A_121 = tpu.vector_load_idx %arg20[%get3A_109] : memref<10000xf32, #tpu.memory_space<vmem>>[vector<16xi32>], vector<16xf32>,
        %gather3A_122 = tpu.vector_load_idx %arg20[%shift_right_logical3A_116] : memref<10000xf32, #tpu.memory_space<vmem>>[vector<16xi32>], vector<16xf32>,
        %sub3A_123 = arith.subf %gather3A_121, %gather3A_122 : vector<16xf32>
        %mul3A_124 = arith.mulf %sub3A, %sub3A : vector<16xf32>
        %mul3A_125 = arith.mulf %sub3A_120, %sub3A_120 : vector<16xf32>
        %add3A_126 = arith.addf %mul3A_124, %mul3A_125 : vector<16xf32>
        %mul3A_127 = arith.mulf %sub3A_123, %sub3A_123 : vector<16xf32>
        %add3A_128 = arith.addf %add3A_126, %mul3A_127 : vector<16xf32>
        %swap3A = arith.constant 0 : index
        %swap3A_129 = tpu.vector_load %arg15[%swap3A] {strides = array<i32>} : memref<80xf32, #tpu.memory_space<vmem>>, vector<16xf32>,
        tpu.vector_store %arg15[%swap3A], %add3A_128 {strides = array<i32>} : memref<80xf32, #tpu.memory_space<vmem>>, vector<16xf32>,
        %mul3A_130 = arith.constant 80 : i32
        %mul3A_131 = arith.muli %add3A_81, %mul3A_130 : i32
        %add3A_132 = arith.constant 16 : i32
        %add3A_133 = arith.addi %mul3A_131, %add3A_132 : i32
        %get3A_134 = arith.index_cast %add3A_133 : i32 to index
        %get3A_135 = tpu.vector_load %arg9[%get3A_134] {strides = array<i32>} : memref<10000xi32, #tpu.memory_space<vmem>>, vector<16xi32>,
        %add3A_136 = arith.constant 0 : i32
        %add3A_137 = arith.addi %add3A_136, %mul3A_2 : i32
        %add3A_138 = arith.addi %add3A_137, %add3A_133 : i32
        %iota3A_139 = tpu.iota {dimensions = array<i32: 0>} : vector<16xi32>
        %add3A_140 = vector.broadcast %add3A_138 : i32 to vector<16xi32>
        %add3A_141 = arith.addi %add3A_140, %iota3A_139 : vector<16xi32>
        %shift_right_logical3A_142 = arith.constant 5 : i32
        %shift_right_logical3A_143 = vector.broadcast %shift_right_logical3A_142 : i32 to vector<16xi32>
        %shift_right_logical3A_144 = arith.shrui %add3A_141, %shift_right_logical3A_143 : vector<16xi32>
        %gather3A_145 = tpu.vector_load_idx %arg18[%get3A_135] : memref<10000xf32, #tpu.memory_space<vmem>>[vector<16xi32>], vector<16xf32>,
        %gather3A_146 = tpu.vector_load_idx %arg18[%shift_right_logical3A_144] : memref<10000xf32, #tpu.memory_space<vmem>>[vector<16xi32>], vector<16xf32>,
        %sub3A_147 = arith.subf %gather3A_145, %gather3A_146 : vector<16xf32>
        %gather3A_148 = tpu.vector_load_idx %arg19[%get3A_135] : memref<10000xf32, #tpu.memory_space<vmem>>[vector<16xi32>], vector<16xf32>,
        %gather3A_149 = tpu.vector_load_idx %arg19[%shift_right_logical3A_144] : memref<10000xf32, #tpu.memory_space<vmem>>[vector<16xi32>], vector<16xf32>,
        %sub3A_150 = arith.subf %gather3A_148, %gather3A_149 : vector<16xf32>
        %gather3A_151 = tpu.vector_load_idx %arg20[%get3A_135] : memref<10000xf32, #tpu.memory_space<vmem>>[vector<16xi32>], vector<16xf32>,
        %gather3A_152 = tpu.vector_load_idx %arg20[%shift_right_logical3A_144] : memref<10000xf32, #tpu.memory_space<vmem>>[vector<16xi32>], vector<16xf32>,
        %sub3A_153 = arith.subf %gather3A_151, %gather3A_152 : vector<16xf32>
        %mul3A_154 = arith.mulf %sub3A_147, %sub3A_147 : vector<16xf32>
        %mul3A_155 = arith.mulf %sub3A_150, %sub3A_150 : vector<16xf32>
        %add3A_156 = arith.addf %mul3A_154, %mul3A_155 : vector<16xf32>
        %mul3A_157 = arith.mulf %sub3A_153, %sub3A_153 : vector<16xf32>
        %add3A_158 = arith.addf %add3A_156, %mul3A_157 : vector<16xf32>
        %swap3A_159 = arith.constant 16 : index
        %swap3A_160 = tpu.vector_load %arg15[%swap3A_159] {strides = array<i32>} : memref<80xf32, #tpu.memory_space<vmem>>, vector<16xf32>,
        tpu.vector_store %arg15[%swap3A_159], %add3A_158 {strides = array<i32>} : memref<80xf32, #tpu.memory_space<vmem>>, vector<16xf32>,
        %mul3A_161 = arith.constant 80 : i32
        %mul3A_162 = arith.muli %add3A_81, %mul3A_161 : i32
        %add3A_163 = arith.constant 32 : i32
        %add3A_164 = arith.addi %mul3A_162, %add3A_163 : i32
        %get3A_165 = arith.index_cast %add3A_164 : i32 to index
        %get3A_166 = tpu.vector_load %arg9[%get3A_165] {strides = array<i32>} : memref<10000xi32, #tpu.memory_space<vmem>>, vector<16xi32>,
        %add3A_167 = arith.constant 0 : i32
        %add3A_168 = arith.addi %add3A_167, %mul3A_2 : i32
        %add3A_169 = arith.addi %add3A_168, %add3A_164 : i32
        %iota3A_170 = tpu.iota {dimensions = array<i32: 0>} : vector<16xi32>
        %add3A_171 = vector.broadcast %add3A_169 : i32 to vector<16xi32>
        %add3A_172 = arith.addi %add3A_171, %iota3A_170 : vector<16xi32>
        %shift_right_logical3A_173 = arith.constant 5 : i32
        %shift_right_logical3A_174 = vector.broadcast %shift_right_logical3A_173 : i32 to vector<16xi32>
        %shift_right_logical3A_175 = arith.shrui %add3A_172, %shift_right_logical3A_174 : vector<16xi32>
        %gather3A_176 = tpu.vector_load_idx %arg18[%get3A_166] : memref<10000xf32, #tpu.memory_space<vmem>>[vector<16xi32>], vector<16xf32>,
        %gather3A_177 = tpu.vector_load_idx %arg18[%shift_right_logical3A_175] : memref<10000xf32, #tpu.memory_space<vmem>>[vector<16xi32>], vector<16xf32>,
        %sub3A_178 = arith.subf %gather3A_176, %gather3A_177 : vector<16xf32>
        %gather3A_179 = tpu.vector_load_idx %arg19[%get3A_166] : memref<10000xf32, #tpu.memory_space<vmem>>[vector<16xi32>], vector<16xf32>,
        %gather3A_180 = tpu.vector_load_idx %arg19[%shift_right_logical3A_175] : memref<10000xf32, #tpu.memory_space<vmem>>[vector<16xi32>], vector<16xf32>,
        %sub3A_181 = arith.subf %gather3A_179, %gather3A_180 : vector<16xf32>
        %gather3A_182 = tpu.vector_load_idx %arg20[%get3A_166] : memref<10000xf32, #tpu.memory_space<vmem>>[vector<16xi32>], vector<16xf32>,
        %gather3A_183 = tpu.vector_load_idx %arg20[%shift_right_logical3A_175] : memref<10000xf32, #tpu.memory_space<vmem>>[vector<16xi32>], vector<16xf32>,
        %sub3A_184 = arith.subf %gather3A_182, %gather3A_183 : vector<16xf32>
        %mul3A_185 = arith.mulf %sub3A_178, %sub3A_178 : vector<16xf32>
        %mul3A_186 = arith.mulf %sub3A_181, %sub3A_181 : vector<16xf32>
        %add3A_187 = arith.addf %mul3A_185, %mul3A_186 : vector<16xf32>
        %mul3A_188 = arith.mulf %sub3A_184, %sub3A_184 : vector<16xf32>
        %add3A_189 = arith.addf %add3A_187, %mul3A_188 : vector<16xf32>
        %swap3A_190 = arith.constant 32 : index
        %swap3A_191 = tpu.vector_load %arg15[%swap3A_190] {strides = array<i32>} : memref<80xf32, #tpu.memory_space<vmem>>, vector<16xf32>,
        tpu.vector_store %arg15[%swap3A_190], %add3A_189 {strides = array<i32>} : memref<80xf32, #tpu.memory_space<vmem>>, vector<16xf32>,
        %mul3A_192 = arith.constant 80 : i32
        %mul3A_193 = arith.muli %add3A_81, %mul3A_192 : i32
        %add3A_194 = arith.constant 48 : i32
        %add3A_195 = arith.addi %mul3A_193, %add3A_194 : i32
        %get3A_196 = arith.index_cast %add3A_195 : i32 to index
        %get3A_197 = tpu.vector_load %arg9[%get3A_196] {strides = array<i32>} : memref<10000xi32, #tpu.memory_space<vmem>>, vector<16xi32>,
        %add3A_198 = arith.constant 0 : i32
        %add3A_199 = arith.addi %add3A_198, %mul3A_2 : i32
        %add3A_200 = arith.addi %add3A_199, %add3A_195 : i32
        %iota3A_201 = tpu.iota {dimensions = array<i32: 0>} : vector<16xi32>
        %add3A_202 = vector.broadcast %add3A_200 : i32 to vector<16xi32>
        %add3A_203 = arith.addi %add3A_202, %iota3A_201 : vector<16xi32>
        %shift_right_logical3A_204 = arith.constant 5 : i32
        %shift_right_logical3A_205 = vector.broadcast %shift_right_logical3A_204 : i32 to vector<16xi32>
        %shift_right_logical3A_206 = arith.shrui %add3A_203, %shift_right_logical3A_205 : vector<16xi32>
        %gather3A_207 = tpu.vector_load_idx %arg18[%get3A_197] : memref<10000xf32, #tpu.memory_space<vmem>>[vector<16xi32>], vector<16xf32>,
        %gather3A_208 = tpu.vector_load_idx %arg18[%shift_right_logical3A_206] : memref<10000xf32, #tpu.memory_space<vmem>>[vector<16xi32>], vector<16xf32>,
        %sub3A_209 = arith.subf %gather3A_207, %gather3A_208 : vector<16xf32>
        %gather3A_210 = tpu.vector_load_idx %arg19[%get3A_197] : memref<10000xf32, #tpu.memory_space<vmem>>[vector<16xi32>], vector<16xf32>,
        %gather3A_211 = tpu.vector_load_idx %arg19[%shift_right_logical3A_206] : memref<10000xf32, #tpu.memory_space<vmem>>[vector<16xi32>], vector<16xf32>,
        %sub3A_212 = arith.subf %gather3A_210, %gather3A_211 : vector<16xf32>
        %gather3A_213 = tpu.vector_load_idx %arg20[%get3A_197] : memref<10000xf32, #tpu.memory_space<vmem>>[vector<16xi32>], vector<16xf32>,
        %gather3A_214 = tpu.vector_load_idx %arg20[%shift_right_logical3A_206] : memref<10000xf32, #tpu.memory_space<vmem>>[vector<16xi32>], vector<16xf32>,
        %sub3A_215 = arith.subf %gather3A_213, %gather3A_214 : vector<16xf32>
        %mul3A_216 = arith.mulf %sub3A_209, %sub3A_209 : vector<16xf32>
        %mul3A_217 = arith.mulf %sub3A_212, %sub3A_212 : vector<16xf32>
        %add3A_218 = arith.addf %mul3A_216, %mul3A_217 : vector<16xf32>
        %mul3A_219 = arith.mulf %sub3A_215, %sub3A_215 : vector<16xf32>
        %add3A_220 = arith.addf %add3A_218, %mul3A_219 : vector<16xf32>
        %swap3A_221 = arith.constant 48 : index
        %swap3A_222 = tpu.vector_load %arg15[%swap3A_221] {strides = array<i32>} : memref<80xf32, #tpu.memory_space<vmem>>, vector<16xf32>,
        tpu.vector_store %arg15[%swap3A_221], %add3A_220 {strides = array<i32>} : memref<80xf32, #tpu.memory_space<vmem>>, vector<16xf32>,
        %mul3A_223 = arith.constant 80 : i32
        %mul3A_224 = arith.muli %add3A_81, %mul3A_223 : i32
        %add3A_225 = arith.constant 64 : i32
        %add3A_226 = arith.addi %mul3A_224, %add3A_225 : i32
        %get3A_227 = arith.index_cast %add3A_226 : i32 to index
        %get3A_228 = tpu.vector_load %arg9[%get3A_227] {strides = array<i32>} : memref<10000xi32, #tpu.memory_space<vmem>>, vector<16xi32>,
        %add3A_229 = arith.constant 0 : i32
        %add3A_230 = arith.addi %add3A_229, %mul3A_2 : i32
        %add3A_231 = arith.addi %add3A_230, %add3A_226 : i32
        %iota3A_232 = tpu.iota {dimensions = array<i32: 0>} : vector<16xi32>
        %add3A_233 = vector.broadcast %add3A_231 : i32 to vector<16xi32>
        %add3A_234 = arith.addi %add3A_233, %iota3A_232 : vector<16xi32>
        %shift_right_logical3A_235 = arith.constant 5 : i32
        %shift_right_logical3A_236 = vector.broadcast %shift_right_logical3A_235 : i32 to vector<16xi32>
        %shift_right_logical3A_237 = arith.shrui %add3A_234, %shift_right_logical3A_236 : vector<16xi32>
        %gather3A_238 = tpu.vector_load_idx %arg18[%get3A_228] : memref<10000xf32, #tpu.memory_space<vmem>>[vector<16xi32>], vector<16xf32>,
        %gather3A_239 = tpu.vector_load_idx %arg18[%shift_right_logical3A_237] : memref<10000xf32, #tpu.memory_space<vmem>>[vector<16xi32>], vector<16xf32>,
        %sub3A_240 = arith.subf %gather3A_238, %gather3A_239 : vector<16xf32>
        %gather3A_241 = tpu.vector_load_idx %arg19[%get3A_228] : memref<10000xf32, #tpu.memory_space<vmem>>[vector<16xi32>], vector<16xf32>,
        %gather3A_242 = tpu.vector_load_idx %arg19[%shift_right_logical3A_237] : memref<10000xf32, #tpu.memory_space<vmem>>[vector<16xi32>], vector<16xf32>,
        %sub3A_243 = arith.subf %gather3A_241, %gather3A_242 : vector<16xf32>
        %gather3A_244 = tpu.vector_load_idx %arg20[%get3A_228] : memref<10000xf32, #tpu.memory_space<vmem>>[vector<16xi32>], vector<16xf32>,
        %gather3A_245 = tpu.vector_load_idx %arg20[%shift_right_logical3A_237] : memref<10000xf32, #tpu.memory_space<vmem>>[vector<16xi32>], vector<16xf32>,
        %sub3A_246 = arith.subf %gather3A_244, %gather3A_245 : vector<16xf32>
        %mul3A_247 = arith.mulf %sub3A_240, %sub3A_240 : vector<16xf32>
        %mul3A_248 = arith.mulf %sub3A_243, %sub3A_243 : vector<16xf32>
        %add3A_249 = arith.addf %mul3A_247, %mul3A_248 : vector<16xf32>
        %mul3A_250 = arith.mulf %sub3A_246, %sub3A_246 : vector<16xf32>
        %add3A_251 = arith.addf %add3A_249, %mul3A_250 : vector<16xf32>
        %swap3A_252 = arith.constant 64 : index
        %swap3A_253 = tpu.vector_load %arg15[%swap3A_252] {strides = array<i32>} : memref<80xf32, #tpu.memory_space<vmem>>, vector<16xf32>,
        tpu.vector_store %arg15[%swap3A_252], %add3A_251 {strides = array<i32>} : memref<80xf32, #tpu.memory_space<vmem>>, vector<16xf32>,
        %mul3A_254 = arith.constant 80 : i32
        %mul3A_255 = arith.muli %add3A_81, %mul3A_254 : i32
        %dma_wait3A_256 = tpu.memref_slice %arg9[%mul3A_255] : memref<10000xi32, #tpu.memory_space<vmem>> -> memref<80xi32, #tpu.memory_space<vmem>>
        %dma_wait3A_257 = arith.constant 0 : i32
        %dma_wait3A_258 = arith.constant 0 : i32
        %dma_wait3A_259 = tpu.memref_slice %arg2[%dma_wait3A_257, %dma_wait3A_258] : memref<10000x128xf32, #tpu.memory_space<hbm>> -> memref<10000x128xf32, #tpu.memory_space<hbm>>
        tpu.wait_indirect_dma semaphore(%arg22 : memref<!tpu.dma_semaphore, #tpu.memory_space<semaphore_mem>>) src(%dma_wait3A_259 : memref<10000x128xf32, #tpu.memory_space<hbm>>) dst(%arg11 : memref<80x128xf32, #tpu.memory_space<vmem>>)
        %mul3A_260 = arith.constant 80 : i32
        %mul3A_261 = arith.muli %add3A_81, %mul3A_260 : i32
        %add3A_262 = arith.addi %mul3A_2, %mul3A_261 : i32
        %multiple_of3A_263 = tpu.assume_multiple %add3A_262, 8 : i32
        %dma_start3A = arith.constant 0 : i32
        %dma_start3A_264 = tpu.memref_slice %arg7[%multiple_of3A_263, %dma_start3A] : memref<320000x128xf32, #tpu.memory_space<hbm>> -> memref<80x128xf32, #tpu.memory_space<hbm>>
        %dma_start3A_265 = arith.constant 0 : i32
        %dma_start3A_266 = tpu.memref_slice %arg7[%multiple_of3A_263, %dma_start3A_265] : memref<320000x128xf32, #tpu.memory_space<hbm>> -> memref<80x128xf32, #tpu.memory_space<hbm>>
        tpu.enqueue_dma source(%arg11 : memref<80x128xf32, #tpu.memory_space<vmem>>) target(%dma_start3A_266 : memref<80x128xf32, #tpu.memory_space<hbm>>) target_semaphore(%arg26 : memref<!tpu.dma_semaphore, #tpu.memory_space<semaphore_mem>>)
        %dma_start3A_267 = tpu.memref_slice %arg8[%multiple_of3A_263] : memref<320000xf32, #tpu.memory_space<hbm>> -> memref<80xf32, #tpu.memory_space<hbm>>
        %dma_start3A_268 = tpu.memref_slice %arg8[%multiple_of3A_263] : memref<320000xf32, #tpu.memory_space<hbm>> -> memref<80xf32, #tpu.memory_space<hbm>>
        tpu.enqueue_dma source(%arg15 : memref<80xf32, #tpu.memory_space<vmem>>) target(%dma_start3A_268 : memref<80xf32, #tpu.memory_space<hbm>>) target_semaphore(%arg26 : memref<!tpu.dma_semaphore, #tpu.memory_space<semaphore_mem>>)
      } else {
      }
      %mul3A_87 = arith.constant 4 : i32
      %mul3A_88 = arith.muli %mul3A_87, %scan3A_35 : i32
      %add3A_89 = arith.constant 2 : i32
      %add3A_90 = arith.addi %mul3A_88, %add3A_89 : i32
      %lt3A_91 = arith.constant 125 : i32
      %lt3A_92 = arith.cmpi slt, %add3A_90, %lt3A_91 : i32
      %convert_element_type3A_93 = arith.extui %lt3A_92 : i1 to i32
      %cond3A_94 = arith.constant 0 : i32
      %cond3A_95 = arith.cmpi ne, %convert_element_type3A_93, %cond3A_94 : i32
      scf.if %cond3A_95 {
        %mul3A_105 = arith.constant 80 : i32
        %mul3A_106 = arith.muli %add3A_90, %mul3A_105 : i32
        %add3A_107 = arith.constant 0 : i32
        %add3A_108 = arith.addi %mul3A_106, %add3A_107 : i32
        %get3A = arith.index_cast %add3A_108 : i32 to index
        %get3A_109 = tpu.vector_load %arg9[%get3A] {strides = array<i32>} : memref<10000xi32, #tpu.memory_space<vmem>>, vector<16xi32>,
        %add3A_110 = arith.constant 0 : i32
        %add3A_111 = arith.addi %add3A_110, %mul3A_2 : i32
        %add3A_112 = arith.addi %add3A_111, %add3A_108 : i32
        %iota3A = tpu.iota {dimensions = array<i32: 0>} : vector<16xi32>
        %add3A_113 = vector.broadcast %add3A_112 : i32 to vector<16xi32>
        %add3A_114 = arith.addi %add3A_113, %iota3A : vector<16xi32>
        %shift_right_logical3A = arith.constant 5 : i32
        %shift_right_logical3A_115 = vector.broadcast %shift_right_logical3A : i32 to vector<16xi32>
        %shift_right_logical3A_116 = arith.shrui %add3A_114, %shift_right_logical3A_115 : vector<16xi32>
        %gather3A = tpu.vector_load_idx %arg18[%get3A_109] : memref<10000xf32, #tpu.memory_space<vmem>>[vector<16xi32>], vector<16xf32>,
        %gather3A_117 = tpu.vector_load_idx %arg18[%shift_right_logical3A_116] : memref<10000xf32, #tpu.memory_space<vmem>>[vector<16xi32>], vector<16xf32>,
        %sub3A = arith.subf %gather3A, %gather3A_117 : vector<16xf32>
        %gather3A_118 = tpu.vector_load_idx %arg19[%get3A_109] : memref<10000xf32, #tpu.memory_space<vmem>>[vector<16xi32>], vector<16xf32>,
        %gather3A_119 = tpu.vector_load_idx %arg19[%shift_right_logical3A_116] : memref<10000xf32, #tpu.memory_space<vmem>>[vector<16xi32>], vector<16xf32>,
        %sub3A_120 = arith.subf %gather3A_118, %gather3A_119 : vector<16xf32>
        %gather3A_121 = tpu.vector_load_idx %arg20[%get3A_109] : memref<10000xf32, #tpu.memory_space<vmem>>[vector<16xi32>], vector<16xf32>,
        %gather3A_122 = tpu.vector_load_idx %arg20[%shift_right_logical3A_116] : memref<10000xf32, #tpu.memory_space<vmem>>[vector<16xi32>], vector<16xf32>,
        %sub3A_123 = arith.subf %gather3A_121, %gather3A_122 : vector<16xf32>
        %mul3A_124 = arith.mulf %sub3A, %sub3A : vector<16xf32>
        %mul3A_125 = arith.mulf %sub3A_120, %sub3A_120 : vector<16xf32>
        %add3A_126 = arith.addf %mul3A_124, %mul3A_125 : vector<16xf32>
        %mul3A_127 = arith.mulf %sub3A_123, %sub3A_123 : vector<16xf32>
        %add3A_128 = arith.addf %add3A_126, %mul3A_127 : vector<16xf32>
        %swap3A = arith.constant 0 : index
        %swap3A_129 = tpu.vector_load %arg16[%swap3A] {strides = array<i32>} : memref<80xf32, #tpu.memory_space<vmem>>, vector<16xf32>,
        tpu.vector_store %arg16[%swap3A], %add3A_128 {strides = array<i32>} : memref<80xf32, #tpu.memory_space<vmem>>, vector<16xf32>,
        %mul3A_130 = arith.constant 80 : i32
        %mul3A_131 = arith.muli %add3A_90, %mul3A_130 : i32
        %add3A_132 = arith.constant 16 : i32
        %add3A_133 = arith.addi %mul3A_131, %add3A_132 : i32
        %get3A_134 = arith.index_cast %add3A_133 : i32 to index
        %get3A_135 = tpu.vector_load %arg9[%get3A_134] {strides = array<i32>} : memref<10000xi32, #tpu.memory_space<vmem>>, vector<16xi32>,
        %add3A_136 = arith.constant 0 : i32
        %add3A_137 = arith.addi %add3A_136, %mul3A_2 : i32
        %add3A_138 = arith.addi %add3A_137, %add3A_133 : i32
        %iota3A_139 = tpu.iota {dimensions = array<i32: 0>} : vector<16xi32>
        %add3A_140 = vector.broadcast %add3A_138 : i32 to vector<16xi32>
        %add3A_141 = arith.addi %add3A_140, %iota3A_139 : vector<16xi32>
        %shift_right_logical3A_142 = arith.constant 5 : i32
        %shift_right_logical3A_143 = vector.broadcast %shift_right_logical3A_142 : i32 to vector<16xi32>
        %shift_right_logical3A_144 = arith.shrui %add3A_141, %shift_right_logical3A_143 : vector<16xi32>
        %gather3A_145 = tpu.vector_load_idx %arg18[%get3A_135] : memref<10000xf32, #tpu.memory_space<vmem>>[vector<16xi32>], vector<16xf32>,
        %gather3A_146 = tpu.vector_load_idx %arg18[%shift_right_logical3A_144] : memref<10000xf32, #tpu.memory_space<vmem>>[vector<16xi32>], vector<16xf32>,
        %sub3A_147 = arith.subf %gather3A_145, %gather3A_146 : vector<16xf32>
        %gather3A_148 = tpu.vector_load_idx %arg19[%get3A_135] : memref<10000xf32, #tpu.memory_space<vmem>>[vector<16xi32>], vector<16xf32>,
        %gather3A_149 = tpu.vector_load_idx %arg19[%shift_right_logical3A_144] : memref<10000xf32, #tpu.memory_space<vmem>>[vector<16xi32>], vector<16xf32>,
        %sub3A_150 = arith.subf %gather3A_148, %gather3A_149 : vector<16xf32>
        %gather3A_151 = tpu.vector_load_idx %arg20[%get3A_135] : memref<10000xf32, #tpu.memory_space<vmem>>[vector<16xi32>], vector<16xf32>,
        %gather3A_152 = tpu.vector_load_idx %arg20[%shift_right_logical3A_144] : memref<10000xf32, #tpu.memory_space<vmem>>[vector<16xi32>], vector<16xf32>,
        %sub3A_153 = arith.subf %gather3A_151, %gather3A_152 : vector<16xf32>
        %mul3A_154 = arith.mulf %sub3A_147, %sub3A_147 : vector<16xf32>
        %mul3A_155 = arith.mulf %sub3A_150, %sub3A_150 : vector<16xf32>
        %add3A_156 = arith.addf %mul3A_154, %mul3A_155 : vector<16xf32>
        %mul3A_157 = arith.mulf %sub3A_153, %sub3A_153 : vector<16xf32>
        %add3A_158 = arith.addf %add3A_156, %mul3A_157 : vector<16xf32>
        %swap3A_159 = arith.constant 16 : index
        %swap3A_160 = tpu.vector_load %arg16[%swap3A_159] {strides = array<i32>} : memref<80xf32, #tpu.memory_space<vmem>>, vector<16xf32>,
        tpu.vector_store %arg16[%swap3A_159], %add3A_158 {strides = array<i32>} : memref<80xf32, #tpu.memory_space<vmem>>, vector<16xf32>,
        %mul3A_161 = arith.constant 80 : i32
        %mul3A_162 = arith.muli %add3A_90, %mul3A_161 : i32
        %add3A_163 = arith.constant 32 : i32
        %add3A_164 = arith.addi %mul3A_162, %add3A_163 : i32
        %get3A_165 = arith.index_cast %add3A_164 : i32 to index
        %get3A_166 = tpu.vector_load %arg9[%get3A_165] {strides = array<i32>} : memref<10000xi32, #tpu.memory_space<vmem>>, vector<16xi32>,
        %add3A_167 = arith.constant 0 : i32
        %add3A_168 = arith.addi %add3A_167, %mul3A_2 : i32
        %add3A_169 = arith.addi %add3A_168, %add3A_164 : i32
        %iota3A_170 = tpu.iota {dimensions = array<i32: 0>} : vector<16xi32>
        %add3A_171 = vector.broadcast %add3A_169 : i32 to vector<16xi32>
        %add3A_172 = arith.addi %add3A_171, %iota3A_170 : vector<16xi32>
        %shift_right_logical3A_173 = arith.constant 5 : i32
        %shift_right_logical3A_174 = vector.broadcast %shift_right_logical3A_173 : i32 to vector<16xi32>
        %shift_right_logical3A_175 = arith.shrui %add3A_172, %shift_right_logical3A_174 : vector<16xi32>
        %gather3A_176 = tpu.vector_load_idx %arg18[%get3A_166] : memref<10000xf32, #tpu.memory_space<vmem>>[vector<16xi32>], vector<16xf32>,
        %gather3A_177 = tpu.vector_load_idx %arg18[%shift_right_logical3A_175] : memref<10000xf32, #tpu.memory_space<vmem>>[vector<16xi32>], vector<16xf32>,
        %sub3A_178 = arith.subf %gather3A_176, %gather3A_177 : vector<16xf32>
        %gather3A_179 = tpu.vector_load_idx %arg19[%get3A_166] : memref<10000xf32, #tpu.memory_space<vmem>>[vector<16xi32>], vector<16xf32>,
        %gather3A_180 = tpu.vector_load_idx %arg19[%shift_right_logical3A_175] : memref<10000xf32, #tpu.memory_space<vmem>>[vector<16xi32>], vector<16xf32>,
        %sub3A_181 = arith.subf %gather3A_179, %gather3A_180 : vector<16xf32>
        %gather3A_182 = tpu.vector_load_idx %arg20[%get3A_166] : memref<10000xf32, #tpu.memory_space<vmem>>[vector<16xi32>], vector<16xf32>,
        %gather3A_183 = tpu.vector_load_idx %arg20[%shift_right_logical3A_175] : memref<10000xf32, #tpu.memory_space<vmem>>[vector<16xi32>], vector<16xf32>,
        %sub3A_184 = arith.subf %gather3A_182, %gather3A_183 : vector<16xf32>
        %mul3A_185 = arith.mulf %sub3A_178, %sub3A_178 : vector<16xf32>
        %mul3A_186 = arith.mulf %sub3A_181, %sub3A_181 : vector<16xf32>
        %add3A_187 = arith.addf %mul3A_185, %mul3A_186 : vector<16xf32>
        %mul3A_188 = arith.mulf %sub3A_184, %sub3A_184 : vector<16xf32>
        %add3A_189 = arith.addf %add3A_187, %mul3A_188 : vector<16xf32>
        %swap3A_190 = arith.constant 32 : index
        %swap3A_191 = tpu.vector_load %arg16[%swap3A_190] {strides = array<i32>} : memref<80xf32, #tpu.memory_space<vmem>>, vector<16xf32>,
        tpu.vector_store %arg16[%swap3A_190], %add3A_189 {strides = array<i32>} : memref<80xf32, #tpu.memory_space<vmem>>, vector<16xf32>,
        %mul3A_192 = arith.constant 80 : i32
        %mul3A_193 = arith.muli %add3A_90, %mul3A_192 : i32
        %add3A_194 = arith.constant 48 : i32
        %add3A_195 = arith.addi %mul3A_193, %add3A_194 : i32
        %get3A_196 = arith.index_cast %add3A_195 : i32 to index
        %get3A_197 = tpu.vector_load %arg9[%get3A_196] {strides = array<i32>} : memref<10000xi32, #tpu.memory_space<vmem>>, vector<16xi32>,
        %add3A_198 = arith.constant 0 : i32
        %add3A_199 = arith.addi %add3A_198, %mul3A_2 : i32
        %add3A_200 = arith.addi %add3A_199, %add3A_195 : i32
        %iota3A_201 = tpu.iota {dimensions = array<i32: 0>} : vector<16xi32>
        %add3A_202 = vector.broadcast %add3A_200 : i32 to vector<16xi32>
        %add3A_203 = arith.addi %add3A_202, %iota3A_201 : vector<16xi32>
        %shift_right_logical3A_204 = arith.constant 5 : i32
        %shift_right_logical3A_205 = vector.broadcast %shift_right_logical3A_204 : i32 to vector<16xi32>
        %shift_right_logical3A_206 = arith.shrui %add3A_203, %shift_right_logical3A_205 : vector<16xi32>
        %gather3A_207 = tpu.vector_load_idx %arg18[%get3A_197] : memref<10000xf32, #tpu.memory_space<vmem>>[vector<16xi32>], vector<16xf32>,
        %gather3A_208 = tpu.vector_load_idx %arg18[%shift_right_logical3A_206] : memref<10000xf32, #tpu.memory_space<vmem>>[vector<16xi32>], vector<16xf32>,
        %sub3A_209 = arith.subf %gather3A_207, %gather3A_208 : vector<16xf32>
        %gather3A_210 = tpu.vector_load_idx %arg19[%get3A_197] : memref<10000xf32, #tpu.memory_space<vmem>>[vector<16xi32>], vector<16xf32>,
        %gather3A_211 = tpu.vector_load_idx %arg19[%shift_right_logical3A_206] : memref<10000xf32, #tpu.memory_space<vmem>>[vector<16xi32>], vector<16xf32>,
        %sub3A_212 = arith.subf %gather3A_210, %gather3A_211 : vector<16xf32>
        %gather3A_213 = tpu.vector_load_idx %arg20[%get3A_197] : memref<10000xf32, #tpu.memory_space<vmem>>[vector<16xi32>], vector<16xf32>,
        %gather3A_214 = tpu.vector_load_idx %arg20[%shift_right_logical3A_206] : memref<10000xf32, #tpu.memory_space<vmem>>[vector<16xi32>], vector<16xf32>,
        %sub3A_215 = arith.subf %gather3A_213, %gather3A_214 : vector<16xf32>
        %mul3A_216 = arith.mulf %sub3A_209, %sub3A_209 : vector<16xf32>
        %mul3A_217 = arith.mulf %sub3A_212, %sub3A_212 : vector<16xf32>
        %add3A_218 = arith.addf %mul3A_216, %mul3A_217 : vector<16xf32>
        %mul3A_219 = arith.mulf %sub3A_215, %sub3A_215 : vector<16xf32>
        %add3A_220 = arith.addf %add3A_218, %mul3A_219 : vector<16xf32>
        %swap3A_221 = arith.constant 48 : index
        %swap3A_222 = tpu.vector_load %arg16[%swap3A_221] {strides = array<i32>} : memref<80xf32, #tpu.memory_space<vmem>>, vector<16xf32>,
        tpu.vector_store %arg16[%swap3A_221], %add3A_220 {strides = array<i32>} : memref<80xf32, #tpu.memory_space<vmem>>, vector<16xf32>,
        %mul3A_223 = arith.constant 80 : i32
        %mul3A_224 = arith.muli %add3A_90, %mul3A_223 : i32
        %add3A_225 = arith.constant 64 : i32
        %add3A_226 = arith.addi %mul3A_224, %add3A_225 : i32
        %get3A_227 = arith.index_cast %add3A_226 : i32 to index
        %get3A_228 = tpu.vector_load %arg9[%get3A_227] {strides = array<i32>} : memref<10000xi32, #tpu.memory_space<vmem>>, vector<16xi32>,
        %add3A_229 = arith.constant 0 : i32
        %add3A_230 = arith.addi %add3A_229, %mul3A_2 : i32
        %add3A_231 = arith.addi %add3A_230, %add3A_226 : i32
        %iota3A_232 = tpu.iota {dimensions = array<i32: 0>} : vector<16xi32>
        %add3A_233 = vector.broadcast %add3A_231 : i32 to vector<16xi32>
        %add3A_234 = arith.addi %add3A_233, %iota3A_232 : vector<16xi32>
        %shift_right_logical3A_235 = arith.constant 5 : i32
        %shift_right_logical3A_236 = vector.broadcast %shift_right_logical3A_235 : i32 to vector<16xi32>
        %shift_right_logical3A_237 = arith.shrui %add3A_234, %shift_right_logical3A_236 : vector<16xi32>
        %gather3A_238 = tpu.vector_load_idx %arg18[%get3A_228] : memref<10000xf32, #tpu.memory_space<vmem>>[vector<16xi32>], vector<16xf32>,
        %gather3A_239 = tpu.vector_load_idx %arg18[%shift_right_logical3A_237] : memref<10000xf32, #tpu.memory_space<vmem>>[vector<16xi32>], vector<16xf32>,
        %sub3A_240 = arith.subf %gather3A_238, %gather3A_239 : vector<16xf32>
        %gather3A_241 = tpu.vector_load_idx %arg19[%get3A_228] : memref<10000xf32, #tpu.memory_space<vmem>>[vector<16xi32>], vector<16xf32>,
        %gather3A_242 = tpu.vector_load_idx %arg19[%shift_right_logical3A_237] : memref<10000xf32, #tpu.memory_space<vmem>>[vector<16xi32>], vector<16xf32>,
        %sub3A_243 = arith.subf %gather3A_241, %gather3A_242 : vector<16xf32>
        %gather3A_244 = tpu.vector_load_idx %arg20[%get3A_228] : memref<10000xf32, #tpu.memory_space<vmem>>[vector<16xi32>], vector<16xf32>,
        %gather3A_245 = tpu.vector_load_idx %arg20[%shift_right_logical3A_237] : memref<10000xf32, #tpu.memory_space<vmem>>[vector<16xi32>], vector<16xf32>,
        %sub3A_246 = arith.subf %gather3A_244, %gather3A_245 : vector<16xf32>
        %mul3A_247 = arith.mulf %sub3A_240, %sub3A_240 : vector<16xf32>
        %mul3A_248 = arith.mulf %sub3A_243, %sub3A_243 : vector<16xf32>
        %add3A_249 = arith.addf %mul3A_247, %mul3A_248 : vector<16xf32>
        %mul3A_250 = arith.mulf %sub3A_246, %sub3A_246 : vector<16xf32>
        %add3A_251 = arith.addf %add3A_249, %mul3A_250 : vector<16xf32>
        %swap3A_252 = arith.constant 64 : index
        %swap3A_253 = tpu.vector_load %arg16[%swap3A_252] {strides = array<i32>} : memref<80xf32, #tpu.memory_space<vmem>>, vector<16xf32>,
        tpu.vector_store %arg16[%swap3A_252], %add3A_251 {strides = array<i32>} : memref<80xf32, #tpu.memory_space<vmem>>, vector<16xf32>,
        %mul3A_254 = arith.constant 80 : i32
        %mul3A_255 = arith.muli %add3A_90, %mul3A_254 : i32
        %dma_wait3A_256 = tpu.memref_slice %arg9[%mul3A_255] : memref<10000xi32, #tpu.memory_space<vmem>> -> memref<80xi32, #tpu.memory_space<vmem>>
        %dma_wait3A_257 = arith.constant 0 : i32
        %dma_wait3A_258 = arith.constant 0 : i32
        %dma_wait3A_259 = tpu.memref_slice %arg2[%dma_wait3A_257, %dma_wait3A_258] : memref<10000x128xf32, #tpu.memory_space<hbm>> -> memref<10000x128xf32, #tpu.memory_space<hbm>>
        tpu.wait_indirect_dma semaphore(%arg23 : memref<!tpu.dma_semaphore, #tpu.memory_space<semaphore_mem>>) src(%dma_wait3A_259 : memref<10000x128xf32, #tpu.memory_space<hbm>>) dst(%arg12 : memref<80x128xf32, #tpu.memory_space<vmem>>)
        %mul3A_260 = arith.constant 80 : i32
        %mul3A_261 = arith.muli %add3A_90, %mul3A_260 : i32
        %add3A_262 = arith.addi %mul3A_2, %mul3A_261 : i32
        %multiple_of3A_263 = tpu.assume_multiple %add3A_262, 8 : i32
        %dma_start3A = arith.constant 0 : i32
        %dma_start3A_264 = tpu.memref_slice %arg7[%multiple_of3A_263, %dma_start3A] : memref<320000x128xf32, #tpu.memory_space<hbm>> -> memref<80x128xf32, #tpu.memory_space<hbm>>
        %dma_start3A_265 = arith.constant 0 : i32
        %dma_start3A_266 = tpu.memref_slice %arg7[%multiple_of3A_263, %dma_start3A_265] : memref<320000x128xf32, #tpu.memory_space<hbm>> -> memref<80x128xf32, #tpu.memory_space<hbm>>
        tpu.enqueue_dma source(%arg12 : memref<80x128xf32, #tpu.memory_space<vmem>>) target(%dma_start3A_266 : memref<80x128xf32, #tpu.memory_space<hbm>>) target_semaphore(%arg27 : memref<!tpu.dma_semaphore, #tpu.memory_space<semaphore_mem>>)
        %dma_start3A_267 = tpu.memref_slice %arg8[%multiple_of3A_263] : memref<320000xf32, #tpu.memory_space<hbm>> -> memref<80xf32, #tpu.memory_space<hbm>>
        %dma_start3A_268 = tpu.memref_slice %arg8[%multiple_of3A_263] : memref<320000xf32, #tpu.memory_space<hbm>> -> memref<80xf32, #tpu.memory_space<hbm>>
        tpu.enqueue_dma source(%arg16 : memref<80xf32, #tpu.memory_space<vmem>>) target(%dma_start3A_268 : memref<80xf32, #tpu.memory_space<hbm>>) target_semaphore(%arg27 : memref<!tpu.dma_semaphore, #tpu.memory_space<semaphore_mem>>)
      } else {
      }
      %mul3A_96 = arith.constant 4 : i32
      %mul3A_97 = arith.muli %mul3A_96, %scan3A_35 : i32
      %add3A_98 = arith.constant 3 : i32
      %add3A_99 = arith.addi %mul3A_97, %add3A_98 : i32
      %lt3A_100 = arith.constant 125 : i32
      %lt3A_101 = arith.cmpi slt, %add3A_99, %lt3A_100 : i32
      %convert_element_type3A_102 = arith.extui %lt3A_101 : i1 to i32
      %cond3A_103 = arith.constant 0 : i32
      %cond3A_104 = arith.cmpi ne, %convert_element_type3A_102, %cond3A_103 : i32
      scf.if %cond3A_104 {
        %mul3A_105 = arith.constant 80 : i32
        %mul3A_106 = arith.muli %add3A_99, %mul3A_105 : i32
        %add3A_107 = arith.constant 0 : i32
        %add3A_108 = arith.addi %mul3A_106, %add3A_107 : i32
        %get3A = arith.index_cast %add3A_108 : i32 to index
        %get3A_109 = tpu.vector_load %arg9[%get3A] {strides = array<i32>} : memref<10000xi32, #tpu.memory_space<vmem>>, vector<16xi32>,
        %add3A_110 = arith.constant 0 : i32
        %add3A_111 = arith.addi %add3A_110, %mul3A_2 : i32
        %add3A_112 = arith.addi %add3A_111, %add3A_108 : i32
        %iota3A = tpu.iota {dimensions = array<i32: 0>} : vector<16xi32>
        %add3A_113 = vector.broadcast %add3A_112 : i32 to vector<16xi32>
        %add3A_114 = arith.addi %add3A_113, %iota3A : vector<16xi32>
        %shift_right_logical3A = arith.constant 5 : i32
        %shift_right_logical3A_115 = vector.broadcast %shift_right_logical3A : i32 to vector<16xi32>
        %shift_right_logical3A_116 = arith.shrui %add3A_114, %shift_right_logical3A_115 : vector<16xi32>
        %gather3A = tpu.vector_load_idx %arg18[%get3A_109] : memref<10000xf32, #tpu.memory_space<vmem>>[vector<16xi32>], vector<16xf32>,
        %gather3A_117 = tpu.vector_load_idx %arg18[%shift_right_logical3A_116] : memref<10000xf32, #tpu.memory_space<vmem>>[vector<16xi32>], vector<16xf32>,
        %sub3A = arith.subf %gather3A, %gather3A_117 : vector<16xf32>
        %gather3A_118 = tpu.vector_load_idx %arg19[%get3A_109] : memref<10000xf32, #tpu.memory_space<vmem>>[vector<16xi32>], vector<16xf32>,
        %gather3A_119 = tpu.vector_load_idx %arg19[%shift_right_logical3A_116] : memref<10000xf32, #tpu.memory_space<vmem>>[vector<16xi32>], vector<16xf32>,
        %sub3A_120 = arith.subf %gather3A_118, %gather3A_119 : vector<16xf32>
        %gather3A_121 = tpu.vector_load_idx %arg20[%get3A_109] : memref<10000xf32, #tpu.memory_space<vmem>>[vector<16xi32>], vector<16xf32>,
        %gather3A_122 = tpu.vector_load_idx %arg20[%shift_right_logical3A_116] : memref<10000xf32, #tpu.memory_space<vmem>>[vector<16xi32>], vector<16xf32>,
        %sub3A_123 = arith.subf %gather3A_121, %gather3A_122 : vector<16xf32>
        %mul3A_124 = arith.mulf %sub3A, %sub3A : vector<16xf32>
        %mul3A_125 = arith.mulf %sub3A_120, %sub3A_120 : vector<16xf32>
        %add3A_126 = arith.addf %mul3A_124, %mul3A_125 : vector<16xf32>
        %mul3A_127 = arith.mulf %sub3A_123, %sub3A_123 : vector<16xf32>
        %add3A_128 = arith.addf %add3A_126, %mul3A_127 : vector<16xf32>
        %swap3A = arith.constant 0 : index
        %swap3A_129 = tpu.vector_load %arg17[%swap3A] {strides = array<i32>} : memref<80xf32, #tpu.memory_space<vmem>>, vector<16xf32>,
        tpu.vector_store %arg17[%swap3A], %add3A_128 {strides = array<i32>} : memref<80xf32, #tpu.memory_space<vmem>>, vector<16xf32>,
        %mul3A_130 = arith.constant 80 : i32
        %mul3A_131 = arith.muli %add3A_99, %mul3A_130 : i32
        %add3A_132 = arith.constant 16 : i32
        %add3A_133 = arith.addi %mul3A_131, %add3A_132 : i32
        %get3A_134 = arith.index_cast %add3A_133 : i32 to index
        %get3A_135 = tpu.vector_load %arg9[%get3A_134] {strides = array<i32>} : memref<10000xi32, #tpu.memory_space<vmem>>, vector<16xi32>,
        %add3A_136 = arith.constant 0 : i32
        %add3A_137 = arith.addi %add3A_136, %mul3A_2 : i32
        %add3A_138 = arith.addi %add3A_137, %add3A_133 : i32
        %iota3A_139 = tpu.iota {dimensions = array<i32: 0>} : vector<16xi32>
        %add3A_140 = vector.broadcast %add3A_138 : i32 to vector<16xi32>
        %add3A_141 = arith.addi %add3A_140, %iota3A_139 : vector<16xi32>
        %shift_right_logical3A_142 = arith.constant 5 : i32
        %shift_right_logical3A_143 = vector.broadcast %shift_right_logical3A_142 : i32 to vector<16xi32>
        %shift_right_logical3A_144 = arith.shrui %add3A_141, %shift_right_logical3A_143 : vector<16xi32>
        %gather3A_145 = tpu.vector_load_idx %arg18[%get3A_135] : memref<10000xf32, #tpu.memory_space<vmem>>[vector<16xi32>], vector<16xf32>,
        %gather3A_146 = tpu.vector_load_idx %arg18[%shift_right_logical3A_144] : memref<10000xf32, #tpu.memory_space<vmem>>[vector<16xi32>], vector<16xf32>,
        %sub3A_147 = arith.subf %gather3A_145, %gather3A_146 : vector<16xf32>
        %gather3A_148 = tpu.vector_load_idx %arg19[%get3A_135] : memref<10000xf32, #tpu.memory_space<vmem>>[vector<16xi32>], vector<16xf32>,
        %gather3A_149 = tpu.vector_load_idx %arg19[%shift_right_logical3A_144] : memref<10000xf32, #tpu.memory_space<vmem>>[vector<16xi32>], vector<16xf32>,
        %sub3A_150 = arith.subf %gather3A_148, %gather3A_149 : vector<16xf32>
        %gather3A_151 = tpu.vector_load_idx %arg20[%get3A_135] : memref<10000xf32, #tpu.memory_space<vmem>>[vector<16xi32>], vector<16xf32>,
        %gather3A_152 = tpu.vector_load_idx %arg20[%shift_right_logical3A_144] : memref<10000xf32, #tpu.memory_space<vmem>>[vector<16xi32>], vector<16xf32>,
        %sub3A_153 = arith.subf %gather3A_151, %gather3A_152 : vector<16xf32>
        %mul3A_154 = arith.mulf %sub3A_147, %sub3A_147 : vector<16xf32>
        %mul3A_155 = arith.mulf %sub3A_150, %sub3A_150 : vector<16xf32>
        %add3A_156 = arith.addf %mul3A_154, %mul3A_155 : vector<16xf32>
        %mul3A_157 = arith.mulf %sub3A_153, %sub3A_153 : vector<16xf32>
        %add3A_158 = arith.addf %add3A_156, %mul3A_157 : vector<16xf32>
        %swap3A_159 = arith.constant 16 : index
        %swap3A_160 = tpu.vector_load %arg17[%swap3A_159] {strides = array<i32>} : memref<80xf32, #tpu.memory_space<vmem>>, vector<16xf32>,
        tpu.vector_store %arg17[%swap3A_159], %add3A_158 {strides = array<i32>} : memref<80xf32, #tpu.memory_space<vmem>>, vector<16xf32>,
        %mul3A_161 = arith.constant 80 : i32
        %mul3A_162 = arith.muli %add3A_99, %mul3A_161 : i32
        %add3A_163 = arith.constant 32 : i32
        %add3A_164 = arith.addi %mul3A_162, %add3A_163 : i32
        %get3A_165 = arith.index_cast %add3A_164 : i32 to index
        %get3A_166 = tpu.vector_load %arg9[%get3A_165] {strides = array<i32>} : memref<10000xi32, #tpu.memory_space<vmem>>, vector<16xi32>,
        %add3A_167 = arith.constant 0 : i32
        %add3A_168 = arith.addi %add3A_167, %mul3A_2 : i32
        %add3A_169 = arith.addi %add3A_168, %add3A_164 : i32
        %iota3A_170 = tpu.iota {dimensions = array<i32: 0>} : vector<16xi32>
        %add3A_171 = vector.broadcast %add3A_169 : i32 to vector<16xi32>
        %add3A_172 = arith.addi %add3A_171, %iota3A_170 : vector<16xi32>
        %shift_right_logical3A_173 = arith.constant 5 : i32
        %shift_right_logical3A_174 = vector.broadcast %shift_right_logical3A_173 : i32 to vector<16xi32>
        %shift_right_logical3A_175 = arith.shrui %add3A_172, %shift_right_logical3A_174 : vector<16xi32>
        %gather3A_176 = tpu.vector_load_idx %arg18[%get3A_166] : memref<10000xf32, #tpu.memory_space<vmem>>[vector<16xi32>], vector<16xf32>,
        %gather3A_177 = tpu.vector_load_idx %arg18[%shift_right_logical3A_175] : memref<10000xf32, #tpu.memory_space<vmem>>[vector<16xi32>], vector<16xf32>,
        %sub3A_178 = arith.subf %gather3A_176, %gather3A_177 : vector<16xf32>
        %gather3A_179 = tpu.vector_load_idx %arg19[%get3A_166] : memref<10000xf32, #tpu.memory_space<vmem>>[vector<16xi32>], vector<16xf32>,
        %gather3A_180 = tpu.vector_load_idx %arg19[%shift_right_logical3A_175] : memref<10000xf32, #tpu.memory_space<vmem>>[vector<16xi32>], vector<16xf32>,
        %sub3A_181 = arith.subf %gather3A_179, %gather3A_180 : vector<16xf32>
        %gather3A_182 = tpu.vector_load_idx %arg20[%get3A_166] : memref<10000xf32, #tpu.memory_space<vmem>>[vector<16xi32>], vector<16xf32>,
        %gather3A_183 = tpu.vector_load_idx %arg20[%shift_right_logical3A_175] : memref<10000xf32, #tpu.memory_space<vmem>>[vector<16xi32>], vector<16xf32>,
        %sub3A_184 = arith.subf %gather3A_182, %gather3A_183 : vector<16xf32>
        %mul3A_185 = arith.mulf %sub3A_178, %sub3A_178 : vector<16xf32>
        %mul3A_186 = arith.mulf %sub3A_181, %sub3A_181 : vector<16xf32>
        %add3A_187 = arith.addf %mul3A_185, %mul3A_186 : vector<16xf32>
        %mul3A_188 = arith.mulf %sub3A_184, %sub3A_184 : vector<16xf32>
        %add3A_189 = arith.addf %add3A_187, %mul3A_188 : vector<16xf32>
        %swap3A_190 = arith.constant 32 : index
        %swap3A_191 = tpu.vector_load %arg17[%swap3A_190] {strides = array<i32>} : memref<80xf32, #tpu.memory_space<vmem>>, vector<16xf32>,
        tpu.vector_store %arg17[%swap3A_190], %add3A_189 {strides = array<i32>} : memref<80xf32, #tpu.memory_space<vmem>>, vector<16xf32>,
        %mul3A_192 = arith.constant 80 : i32
        %mul3A_193 = arith.muli %add3A_99, %mul3A_192 : i32
        %add3A_194 = arith.constant 48 : i32
        %add3A_195 = arith.addi %mul3A_193, %add3A_194 : i32
        %get3A_196 = arith.index_cast %add3A_195 : i32 to index
        %get3A_197 = tpu.vector_load %arg9[%get3A_196] {strides = array<i32>} : memref<10000xi32, #tpu.memory_space<vmem>>, vector<16xi32>,
        %add3A_198 = arith.constant 0 : i32
        %add3A_199 = arith.addi %add3A_198, %mul3A_2 : i32
        %add3A_200 = arith.addi %add3A_199, %add3A_195 : i32
        %iota3A_201 = tpu.iota {dimensions = array<i32: 0>} : vector<16xi32>
        %add3A_202 = vector.broadcast %add3A_200 : i32 to vector<16xi32>
        %add3A_203 = arith.addi %add3A_202, %iota3A_201 : vector<16xi32>
        %shift_right_logical3A_204 = arith.constant 5 : i32
        %shift_right_logical3A_205 = vector.broadcast %shift_right_logical3A_204 : i32 to vector<16xi32>
        %shift_right_logical3A_206 = arith.shrui %add3A_203, %shift_right_logical3A_205 : vector<16xi32>
        %gather3A_207 = tpu.vector_load_idx %arg18[%get3A_197] : memref<10000xf32, #tpu.memory_space<vmem>>[vector<16xi32>], vector<16xf32>,
        %gather3A_208 = tpu.vector_load_idx %arg18[%shift_right_logical3A_206] : memref<10000xf32, #tpu.memory_space<vmem>>[vector<16xi32>], vector<16xf32>,
        %sub3A_209 = arith.subf %gather3A_207, %gather3A_208 : vector<16xf32>
        %gather3A_210 = tpu.vector_load_idx %arg19[%get3A_197] : memref<10000xf32, #tpu.memory_space<vmem>>[vector<16xi32>], vector<16xf32>,
        %gather3A_211 = tpu.vector_load_idx %arg19[%shift_right_logical3A_206] : memref<10000xf32, #tpu.memory_space<vmem>>[vector<16xi32>], vector<16xf32>,
        %sub3A_212 = arith.subf %gather3A_210, %gather3A_211 : vector<16xf32>
        %gather3A_213 = tpu.vector_load_idx %arg20[%get3A_197] : memref<10000xf32, #tpu.memory_space<vmem>>[vector<16xi32>], vector<16xf32>,
        %gather3A_214 = tpu.vector_load_idx %arg20[%shift_right_logical3A_206] : memref<10000xf32, #tpu.memory_space<vmem>>[vector<16xi32>], vector<16xf32>,
        %sub3A_215 = arith.subf %gather3A_213, %gather3A_214 : vector<16xf32>
        %mul3A_216 = arith.mulf %sub3A_209, %sub3A_209 : vector<16xf32>
        %mul3A_217 = arith.mulf %sub3A_212, %sub3A_212 : vector<16xf32>
        %add3A_218 = arith.addf %mul3A_216, %mul3A_217 : vector<16xf32>
        %mul3A_219 = arith.mulf %sub3A_215, %sub3A_215 : vector<16xf32>
        %add3A_220 = arith.addf %add3A_218, %mul3A_219 : vector<16xf32>
        %swap3A_221 = arith.constant 48 : index
        %swap3A_222 = tpu.vector_load %arg17[%swap3A_221] {strides = array<i32>} : memref<80xf32, #tpu.memory_space<vmem>>, vector<16xf32>,
        tpu.vector_store %arg17[%swap3A_221], %add3A_220 {strides = array<i32>} : memref<80xf32, #tpu.memory_space<vmem>>, vector<16xf32>,
        %mul3A_223 = arith.constant 80 : i32
        %mul3A_224 = arith.muli %add3A_99, %mul3A_223 : i32
        %add3A_225 = arith.constant 64 : i32
        %add3A_226 = arith.addi %mul3A_224, %add3A_225 : i32
        %get3A_227 = arith.index_cast %add3A_226 : i32 to index
        %get3A_228 = tpu.vector_load %arg9[%get3A_227] {strides = array<i32>} : memref<10000xi32, #tpu.memory_space<vmem>>, vector<16xi32>,
        %add3A_229 = arith.constant 0 : i32
        %add3A_230 = arith.addi %add3A_229, %mul3A_2 : i32
        %add3A_231 = arith.addi %add3A_230, %add3A_226 : i32
        %iota3A_232 = tpu.iota {dimensions = array<i32: 0>} : vector<16xi32>
        %add3A_233 = vector.broadcast %add3A_231 : i32 to vector<16xi32>
        %add3A_234 = arith.addi %add3A_233, %iota3A_232 : vector<16xi32>
        %shift_right_logical3A_235 = arith.constant 5 : i32
        %shift_right_logical3A_236 = vector.broadcast %shift_right_logical3A_235 : i32 to vector<16xi32>
        %shift_right_logical3A_237 = arith.shrui %add3A_234, %shift_right_logical3A_236 : vector<16xi32>
        %gather3A_238 = tpu.vector_load_idx %arg18[%get3A_228] : memref<10000xf32, #tpu.memory_space<vmem>>[vector<16xi32>], vector<16xf32>,
        %gather3A_239 = tpu.vector_load_idx %arg18[%shift_right_logical3A_237] : memref<10000xf32, #tpu.memory_space<vmem>>[vector<16xi32>], vector<16xf32>,
        %sub3A_240 = arith.subf %gather3A_238, %gather3A_239 : vector<16xf32>
        %gather3A_241 = tpu.vector_load_idx %arg19[%get3A_228] : memref<10000xf32, #tpu.memory_space<vmem>>[vector<16xi32>], vector<16xf32>,
        %gather3A_242 = tpu.vector_load_idx %arg19[%shift_right_logical3A_237] : memref<10000xf32, #tpu.memory_space<vmem>>[vector<16xi32>], vector<16xf32>,
        %sub3A_243 = arith.subf %gather3A_241, %gather3A_242 : vector<16xf32>
        %gather3A_244 = tpu.vector_load_idx %arg20[%get3A_228] : memref<10000xf32, #tpu.memory_space<vmem>>[vector<16xi32>], vector<16xf32>,
        %gather3A_245 = tpu.vector_load_idx %arg20[%shift_right_logical3A_237] : memref<10000xf32, #tpu.memory_space<vmem>>[vector<16xi32>], vector<16xf32>,
        %sub3A_246 = arith.subf %gather3A_244, %gather3A_245 : vector<16xf32>
        %mul3A_247 = arith.mulf %sub3A_240, %sub3A_240 : vector<16xf32>
        %mul3A_248 = arith.mulf %sub3A_243, %sub3A_243 : vector<16xf32>
        %add3A_249 = arith.addf %mul3A_247, %mul3A_248 : vector<16xf32>
        %mul3A_250 = arith.mulf %sub3A_246, %sub3A_246 : vector<16xf32>
        %add3A_251 = arith.addf %add3A_249, %mul3A_250 : vector<16xf32>
        %swap3A_252 = arith.constant 64 : index
        %swap3A_253 = tpu.vector_load %arg17[%swap3A_252] {strides = array<i32>} : memref<80xf32, #tpu.memory_space<vmem>>, vector<16xf32>,
        tpu.vector_store %arg17[%swap3A_252], %add3A_251 {strides = array<i32>} : memref<80xf32, #tpu.memory_space<vmem>>, vector<16xf32>,
        %mul3A_254 = arith.constant 80 : i32
        %mul3A_255 = arith.muli %add3A_99, %mul3A_254 : i32
        %dma_wait3A_256 = tpu.memref_slice %arg9[%mul3A_255] : memref<10000xi32, #tpu.memory_space<vmem>> -> memref<80xi32, #tpu.memory_space<vmem>>
        %dma_wait3A_257 = arith.constant 0 : i32
        %dma_wait3A_258 = arith.constant 0 : i32
        %dma_wait3A_259 = tpu.memref_slice %arg2[%dma_wait3A_257, %dma_wait3A_258] : memref<10000x128xf32, #tpu.memory_space<hbm>> -> memref<10000x128xf32, #tpu.memory_space<hbm>>
        tpu.wait_indirect_dma semaphore(%arg24 : memref<!tpu.dma_semaphore, #tpu.memory_space<semaphore_mem>>) src(%dma_wait3A_259 : memref<10000x128xf32, #tpu.memory_space<hbm>>) dst(%arg13 : memref<80x128xf32, #tpu.memory_space<vmem>>)
        %mul3A_260 = arith.constant 80 : i32
        %mul3A_261 = arith.muli %add3A_99, %mul3A_260 : i32
        %add3A_262 = arith.addi %mul3A_2, %mul3A_261 : i32
        %multiple_of3A_263 = tpu.assume_multiple %add3A_262, 8 : i32
        %dma_start3A = arith.constant 0 : i32
        %dma_start3A_264 = tpu.memref_slice %arg7[%multiple_of3A_263, %dma_start3A] : memref<320000x128xf32, #tpu.memory_space<hbm>> -> memref<80x128xf32, #tpu.memory_space<hbm>>
        %dma_start3A_265 = arith.constant 0 : i32
        %dma_start3A_266 = tpu.memref_slice %arg7[%multiple_of3A_263, %dma_start3A_265] : memref<320000x128xf32, #tpu.memory_space<hbm>> -> memref<80x128xf32, #tpu.memory_space<hbm>>
        tpu.enqueue_dma source(%arg13 : memref<80x128xf32, #tpu.memory_space<vmem>>) target(%dma_start3A_266 : memref<80x128xf32, #tpu.memory_space<hbm>>) target_semaphore(%arg28 : memref<!tpu.dma_semaphore, #tpu.memory_space<semaphore_mem>>)
        %dma_start3A_267 = tpu.memref_slice %arg8[%multiple_of3A_263] : memref<320000xf32, #tpu.memory_space<hbm>> -> memref<80xf32, #tpu.memory_space<hbm>>
        %dma_start3A_268 = tpu.memref_slice %arg8[%multiple_of3A_263] : memref<320000xf32, #tpu.memory_space<hbm>> -> memref<80xf32, #tpu.memory_space<hbm>>
        tpu.enqueue_dma source(%arg17 : memref<80xf32, #tpu.memory_space<vmem>>) target(%dma_start3A_268 : memref<80xf32, #tpu.memory_space<hbm>>) target_semaphore(%arg28 : memref<!tpu.dma_semaphore, #tpu.memory_space<semaphore_mem>>)
      } else {
      }
    }
    %scan3A_7 = arith.constant 32 : i32
    %multiple_of3A_8 = tpu.assume_multiple %mul3A_2, 8 : i32
    %dma_wait3A = arith.constant 0 : i32
    %dma_wait3A_9 = tpu.memref_slice %arg7[%multiple_of3A_8, %dma_wait3A] : memref<320000x128xf32, #tpu.memory_space<hbm>> -> memref<80x128xf32, #tpu.memory_space<hbm>>
    %dma_wait3A_10 = arith.constant 0 : i32
    %dma_wait3A_11 = tpu.memref_slice %arg7[%multiple_of3A_8, %dma_wait3A_10] : memref<320000x128xf32, #tpu.memory_space<hbm>> -> memref<80x128xf32, #tpu.memory_space<hbm>>
    tpu.wait_dma2 semaphore(%arg25 : memref<!tpu.dma_semaphore, #tpu.memory_space<semaphore_mem>>) src(%arg10 : memref<80x128xf32, #tpu.memory_space<vmem>>) dst(%dma_wait3A_11 : memref<80x128xf32, #tpu.memory_space<hbm>>)
    %dma_wait3A_12 = tpu.memref_slice %arg8[%multiple_of3A_8] : memref<320000xf32, #tpu.memory_space<hbm>> -> memref<80xf32, #tpu.memory_space<hbm>>
    %dma_wait3A_13 = tpu.memref_slice %arg8[%multiple_of3A_8] : memref<320000xf32, #tpu.memory_space<hbm>> -> memref<80xf32, #tpu.memory_space<hbm>>
    tpu.wait_dma2 semaphore(%arg25 : memref<!tpu.dma_semaphore, #tpu.memory_space<semaphore_mem>>) src(%arg14 : memref<80xf32, #tpu.memory_space<vmem>>) dst(%dma_wait3A_13 : memref<80xf32, #tpu.memory_space<hbm>>)
    %multiple_of3A_14 = tpu.assume_multiple %mul3A_2, 8 : i32
    %dma_wait3A_15 = arith.constant 0 : i32
    %dma_wait3A_16 = tpu.memref_slice %arg7[%multiple_of3A_14, %dma_wait3A_15] : memref<320000x128xf32, #tpu.memory_space<hbm>> -> memref<80x128xf32, #tpu.memory_space<hbm>>
    %dma_wait3A_17 = arith.constant 0 : i32
    %dma_wait3A_18 = tpu.memref_slice %arg7[%multiple_of3A_14, %dma_wait3A_17] : memref<320000x128xf32, #tpu.memory_space<hbm>> -> memref<80x128xf32, #tpu.memory_space<hbm>>
    tpu.wait_dma2 semaphore(%arg26 : memref<!tpu.dma_semaphore, #tpu.memory_space<semaphore_mem>>) src(%arg11 : memref<80x128xf32, #tpu.memory_space<vmem>>) dst(%dma_wait3A_18 : memref<80x128xf32, #tpu.memory_space<hbm>>)
    %dma_wait3A_19 = tpu.memref_slice %arg8[%multiple_of3A_14] : memref<320000xf32, #tpu.memory_space<hbm>> -> memref<80xf32, #tpu.memory_space<hbm>>
    %dma_wait3A_20 = tpu.memref_slice %arg8[%multiple_of3A_14] : memref<320000xf32, #tpu.memory_space<hbm>> -> memref<80xf32, #tpu.memory_space<hbm>>
    tpu.wait_dma2 semaphore(%arg26 : memref<!tpu.dma_semaphore, #tpu.memory_space<semaphore_mem>>) src(%arg15 : memref<80xf32, #tpu.memory_space<vmem>>) dst(%dma_wait3A_20 : memref<80xf32, #tpu.memory_space<hbm>>)
    %multiple_of3A_21 = tpu.assume_multiple %mul3A_2, 8 : i32
    %dma_wait3A_22 = arith.constant 0 : i32
    %dma_wait3A_23 = tpu.memref_slice %arg7[%multiple_of3A_21, %dma_wait3A_22] : memref<320000x128xf32, #tpu.memory_space<hbm>> -> memref<80x128xf32, #tpu.memory_space<hbm>>
    %dma_wait3A_24 = arith.constant 0 : i32
    %dma_wait3A_25 = tpu.memref_slice %arg7[%multiple_of3A_21, %dma_wait3A_24] : memref<320000x128xf32, #tpu.memory_space<hbm>> -> memref<80x128xf32, #tpu.memory_space<hbm>>
    tpu.wait_dma2 semaphore(%arg27 : memref<!tpu.dma_semaphore, #tpu.memory_space<semaphore_mem>>) src(%arg12 : memref<80x128xf32, #tpu.memory_space<vmem>>) dst(%dma_wait3A_25 : memref<80x128xf32, #tpu.memory_space<hbm>>)
    %dma_wait3A_26 = tpu.memref_slice %arg8[%multiple_of3A_21] : memref<320000xf32, #tpu.memory_space<hbm>> -> memref<80xf32, #tpu.memory_space<hbm>>
    %dma_wait3A_27 = tpu.memref_slice %arg8[%multiple_of3A_21] : memref<320000xf32, #tpu.memory_space<hbm>> -> memref<80xf32, #tpu.memory_space<hbm>>
    tpu.wait_dma2 semaphore(%arg27 : memref<!tpu.dma_semaphore, #tpu.memory_space<semaphore_mem>>) src(%arg16 : memref<80xf32, #tpu.memory_space<vmem>>) dst(%dma_wait3A_27 : memref<80xf32, #tpu.memory_space<hbm>>)
    %multiple_of3A_28 = tpu.assume_multiple %mul3A_2, 8 : i32
    %dma_wait3A_29 = arith.constant 0 : i32
    %dma_wait3A_30 = tpu.memref_slice %arg7[%multiple_of3A_28, %dma_wait3A_29] : memref<320000x128xf32, #tpu.memory_space<hbm>> -> memref<80x128xf32, #tpu.memory_space<hbm>>
    %dma_wait3A_31 = arith.constant 0 : i32
    %dma_wait3A_32 = tpu.memref_slice %arg7[%multiple_of3A_28, %dma_wait3A_31] : memref<320000x128xf32, #tpu.memory_space<hbm>> -> memref<80x128xf32, #tpu.memory_space<hbm>>
    tpu.wait_dma2 semaphore(%arg28 : memref<!tpu.dma_semaphore, #tpu.memory_space<semaphore_mem>>) src(%arg13 : memref<80x128xf32, #tpu.memory_space<vmem>>) dst(%dma_wait3A_32 : memref<80x128xf32, #tpu.memory_space<hbm>>)
    %dma_wait3A_33 = tpu.memref_slice %arg8[%multiple_of3A_28] : memref<320000xf32, #tpu.memory_space<hbm>> -> memref<80xf32, #tpu.memory_space<hbm>>
    %dma_wait3A_34 = tpu.memref_slice %arg8[%multiple_of3A_28] : memref<320000xf32, #tpu.memory_space<hbm>> -> memref<80xf32, #tpu.memory_space<hbm>>
    tpu.wait_dma2 semaphore(%arg28 : memref<!tpu.dma_semaphore, #tpu.memory_space<semaphore_mem>>) src(%arg17 : memref<80xf32, #tpu.memory_space<vmem>>) dst(%dma_wait3A_34 : memref<80xf32, #tpu.memory_space<hbm>>)
    return
  }
}

module attributes {stable_mosaic.version = 14 : i64} {
  func.func @_tc_body(%arg0: i32, %arg1: memref<25x256x128xf32, #tpu.memory_space<vmem>>, %arg2: memref<1x25x256xf32, #tpu.memory_space<vmem>>, %arg3: memref<1x25x256xf32, #tpu.memory_space<vmem>>, %arg4: memref<1280x128xbf16, #tpu.memory_space<vmem>>, %arg5: memref<200x128xf32, #tpu.memory_space<vmem>>) attributes {dimension_semantics = [#tpu.dimension_semantics<arbitrary>], iteration_bounds = array<i64: 50>, scalar_prefetch = 0 : i64, scratch_operands = 0 : i64, tpu.core_type = #tpu.core_type<tc>, window_params = [{transform_indices = @transform_0, window_bounds = array<i64: 25, 256, 128>}, {transform_indices = @transform_1, window_bounds = array<i64: 1, 25, 256>}, {transform_indices = @transform_2, window_bounds = array<i64: 1, 25, 256>}, {pipeline_mode = #tpu.pipeline_mode<synchronous>, transform_indices = @transform_3, window_bounds = array<i64: 1280, 128>}, {transform_indices = @transform_4, window_bounds = array<i64: 200, 128>}]} {
    %get3A = arith.constant 0 : index
    %get3A_0 = arith.constant 0 : index
    %get3A_1 = arith.constant 0 : index
    %get3A_2 = vector.load %arg2[%get3A, %get3A_0, %get3A_1] : memref<1x25x256xf32, #tpu.memory_space<vmem>>, vector<1x25x256xf32>
    %get3A_3 = vector.shape_cast %get3A_2 : vector<1x25x256xf32> to vector<25x256xf32>
    %add3A = arith.constant 9.99999996E-13 : f32
    %add3A_4 = vector.broadcast %add3A : f32 to vector<25x256xf32>
    %add3A_5 = arith.addf %get3A_3, %add3A_4 : vector<25x256xf32>
    %sqrt3A = math.sqrt %add3A_5 : vector<25x256xf32>
    %min3A = arith.constant 6.000000e+00 : f32
    %min3A_6 = vector.broadcast %min3A : f32 to vector<25x256xf32>
    %min3A_7 = arith.minimumf %sqrt3A, %min3A_6 : vector<25x256xf32>
    %get3A_8 = arith.constant 0 : index
    %get3A_9 = arith.constant 0 : index
    %get3A_10 = arith.constant 0 : index
    %get3A_11 = vector.load %arg3[%get3A_8, %get3A_9, %get3A_10] : memref<1x25x256xf32, #tpu.memory_space<vmem>>, vector<1x25x256xf32>
    %get3A_12 = vector.shape_cast %get3A_11 : vector<1x25x256xf32> to vector<25x256xf32>
    %mul3A = arith.mulf %min3A_7, %min3A_7 : vector<25x256xf32>
    %mul3A_13 = arith.constant -8.000000e+00 : f32
    %mul3A_14 = vector.broadcast %mul3A_13 : f32 to vector<25x256xf32>
    %mul3A_15 = arith.mulf %mul3A, %mul3A_14 : vector<25x256xf32>
    %exp3A = math.exp %mul3A_15 : vector<25x256xf32>
    %mul3A_16 = arith.mulf %exp3A, %get3A_12 : vector<25x256xf32>
    %sub3A = arith.constant 1.38888884 : f32
    %sub3A_17 = vector.broadcast %sub3A : f32 to vector<25x256xf32>
    %sub3A_18 = arith.subf %min3A_7, %sub3A_17 : vector<25x256xf32>
    %mul3A_19 = arith.mulf %sub3A_18, %sub3A_18 : vector<25x256xf32>
    %mul3A_20 = arith.constant -8.000000e+00 : f32
    %mul3A_21 = vector.broadcast %mul3A_20 : f32 to vector<25x256xf32>
    %mul3A_22 = arith.mulf %mul3A_19, %mul3A_21 : vector<25x256xf32>
    %exp3A_23 = math.exp %mul3A_22 : vector<25x256xf32>
    %mul3A_24 = arith.mulf %exp3A_23, %get3A_12 : vector<25x256xf32>
    %mul3A_25 = arith.constant 4.44444466 : f32
    %mul3A_26 = vector.broadcast %mul3A_25 : f32 to vector<25x256xf32>
    %mul3A_27 = arith.mulf %min3A_7, %mul3A_26 : vector<25x256xf32>
    %exp3A_28 = math.exp %mul3A_27 : vector<25x256xf32>
    %mul3A_29 = arith.mulf %mul3A_16, %exp3A_28 : vector<25x256xf32>
    %mul3A_30 = arith.constant 0.539407492 : f32
    %mul3A_31 = vector.broadcast %mul3A_30 : f32 to vector<25x256xf32>
    %mul3A_32 = arith.mulf %mul3A_29, %mul3A_31 : vector<25x256xf32>
    %mul3A_33 = arith.mulf %mul3A_29, %exp3A_28 : vector<25x256xf32>
    %mul3A_34 = arith.constant 0.0846579894 : f32
    %mul3A_35 = vector.broadcast %mul3A_34 : f32 to vector<25x256xf32>
    %mul3A_36 = arith.mulf %mul3A_33, %mul3A_35 : vector<25x256xf32>
    %mul3A_37 = arith.mulf %mul3A_33, %exp3A_28 : vector<25x256xf32>
    %mul3A_38 = arith.constant 0.00386592024 : f32
    %mul3A_39 = vector.broadcast %mul3A_38 : f32 to vector<25x256xf32>
    %mul3A_40 = arith.mulf %mul3A_37, %mul3A_39 : vector<25x256xf32>
    %mul3A_41 = arith.mulf %mul3A_37, %exp3A_28 : vector<25x256xf32>
    %mul3A_42 = arith.constant 5.13655323E-5 : f32
    %mul3A_43 = vector.broadcast %mul3A_42 : f32 to vector<25x256xf32>
    %mul3A_44 = arith.mulf %mul3A_41, %mul3A_43 : vector<25x256xf32>
    %mul3A_45 = arith.mulf %mul3A_24, %exp3A_28 : vector<25x256xf32>
    %mul3A_46 = arith.constant 0.00112482987 : f32
    %mul3A_47 = vector.broadcast %mul3A_46 : f32 to vector<25x256xf32>
    %mul3A_48 = arith.mulf %mul3A_45, %mul3A_47 : vector<25x256xf32>
    %mul3A_49 = arith.mulf %mul3A_45, %exp3A_28 : vector<25x256xf32>
    %mul3A_50 = arith.constant 3.68135488E-7 : f32
    %mul3A_51 = vector.broadcast %mul3A_50 : f32 to vector<25x256xf32>
    %mul3A_52 = arith.mulf %mul3A_49, %mul3A_51 : vector<25x256xf32>
    %mul3A_53 = arith.mulf %mul3A_49, %exp3A_28 : vector<25x256xf32>
    %mul3A_54 = arith.constant 3.50560102E-11 : f32
    %mul3A_55 = vector.broadcast %mul3A_54 : f32 to vector<25x256xf32>
    %mul3A_56 = arith.mulf %mul3A_53, %mul3A_55 : vector<25x256xf32>
    %mul3A_57 = arith.mulf %mul3A_53, %exp3A_28 : vector<25x256xf32>
    %mul3A_58 = arith.constant 9.71295221E-16 : f32
    %mul3A_59 = vector.broadcast %mul3A_58 : f32 to vector<25x256xf32>
    %mul3A_60 = arith.mulf %mul3A_57, %mul3A_59 : vector<25x256xf32>
    %stack3A = vector.shape_cast %mul3A_16 : vector<25x256xf32> to vector<25x1x256xf32>
    %stack3A_61 = vector.shape_cast %mul3A_32 : vector<25x256xf32> to vector<25x1x256xf32>
    %stack3A_62 = vector.shape_cast %mul3A_36 : vector<25x256xf32> to vector<25x1x256xf32>
    %stack3A_63 = vector.shape_cast %mul3A_40 : vector<25x256xf32> to vector<25x1x256xf32>
    %stack3A_64 = vector.shape_cast %mul3A_44 : vector<25x256xf32> to vector<25x1x256xf32>
    %stack3A_65 = vector.shape_cast %mul3A_24 : vector<25x256xf32> to vector<25x1x256xf32>
    %stack3A_66 = vector.shape_cast %mul3A_48 : vector<25x256xf32> to vector<25x1x256xf32>
    %stack3A_67 = vector.shape_cast %mul3A_52 : vector<25x256xf32> to vector<25x1x256xf32>
    %stack3A_68 = vector.shape_cast %mul3A_56 : vector<25x256xf32> to vector<25x1x256xf32>
    %stack3A_69 = vector.shape_cast %mul3A_60 : vector<25x256xf32> to vector<25x1x256xf32>
    %stack3A_70 = tpu.concatenate %stack3A, %stack3A_61, %stack3A_62, %stack3A_63, %stack3A_64, %stack3A_65, %stack3A_66, %stack3A_67, %stack3A_68, %stack3A_69 in 1 : vector<25x1x256xf32>, vector<25x1x256xf32>, vector<25x1x256xf32>, vector<25x1x256xf32>, vector<25x1x256xf32>, vector<25x1x256xf32>, vector<25x1x256xf32>, vector<25x1x256xf32>, vector<25x1x256xf32>, vector<25x1x256xf32> -> vector<25x10x256xf32>
    %broadcast_in_dim3A = vector.shape_cast %stack3A_70 : vector<25x10x256xf32> to vector<25x1x10x256xf32>
    %broadcast_in_dim3A_71 = vector.shape_cast %broadcast_in_dim3A : vector<25x1x10x256xf32> to vector<25x1x10x256xf32>
    %broadcast_in_dim3A_72 = vector.broadcast %broadcast_in_dim3A_71 : vector<25x1x10x256xf32> to vector<25x8x10x256xf32>
    %reshape3A = vector.shape_cast %broadcast_in_dim3A_72 : vector<25x8x10x256xf32> to vector<25x80x256xf32>
    %iota3A = tpu.iota {dimensions = array<i32: 0>} : vector<80x256xi32>
    %iota3A_73 = tpu.iota {dimensions = array<i32: 1>} : vector<80x256xi32>
    %jit3A = arith.constant 10 : i32
    %div3A = vector.broadcast %jit3A : i32 to vector<80x256xi32>
    %div3A_74 = arith.divsi %iota3A, %div3A : vector<80x256xi32>
    %sign3A = arith.constant 0 : i32
    %sign3A_75 = vector.broadcast %sign3A : i32 to vector<80x256xi32>
    %sign3A_76 = arith.cmpi sgt, %iota3A, %sign3A_75 : vector<80x256xi32>
    %sign3A_77 = arith.extui %sign3A_76 : vector<80x256xi1> to vector<80x256xi32>
    %sign3A_78 = arith.constant 0 : i32
    %sign3A_79 = vector.broadcast %sign3A_78 : i32 to vector<80x256xi32>
    %sign3A_80 = arith.cmpi slt, %iota3A, %sign3A_79 : vector<80x256xi32>
    %sign3A_81 = arith.extui %sign3A_80 : vector<80x256xi1> to vector<80x256xi32>
    %sign3A_82 = arith.subi %sign3A_77, %sign3A_81 : vector<80x256xi32>
    %sign3A_83 = arith.constant 0 : i32
    %sign3A_84 = arith.cmpi sgt, %jit3A, %sign3A_83 : i32
    %sign3A_85 = arith.extui %sign3A_84 : i1 to i32
    %sign3A_86 = arith.constant 0 : i32
    %sign3A_87 = arith.cmpi slt, %jit3A, %sign3A_86 : i32
    %sign3A_88 = arith.extui %sign3A_87 : i1 to i32
    %sign3A_89 = arith.subi %sign3A_85, %sign3A_88 : i32
    %ne3A = vector.broadcast %sign3A_89 : i32 to vector<80x256xi32>
    %ne3A_90 = arith.cmpi ne, %sign3A_82, %ne3A : vector<80x256xi32>
    %rem3A = vector.broadcast %jit3A : i32 to vector<80x256xi32>
    %rem3A_91 = arith.remsi %iota3A, %rem3A : vector<80x256xi32>
    %ne3A_92 = arith.constant 0 : i32
    %ne3A_93 = vector.broadcast %ne3A_92 : i32 to vector<80x256xi32>
    %ne3A_94 = arith.cmpi ne, %rem3A_91, %ne3A_93 : vector<80x256xi32>
    %and3A = arith.andi %ne3A_90, %ne3A_94 : vector<80x256xi1>
    %sub3A_95 = arith.constant 1 : i32
    %sub3A_96 = vector.broadcast %sub3A_95 : i32 to vector<80x256xi32>
    %sub3A_97 = arith.subi %div3A_74, %sub3A_96 : vector<80x256xi32>
    %select_n3A = arith.select %and3A, %sub3A_97, %div3A_74 : vector<80x256xi1>, vector<80x256xi32>
    %jit3A_98 = arith.constant 32 : i32
    %div3A_99 = vector.broadcast %jit3A_98 : i32 to vector<80x256xi32>
    %div3A_100 = arith.divsi %iota3A_73, %div3A_99 : vector<80x256xi32>
    %sign3A_101 = arith.constant 0 : i32
    %sign3A_102 = vector.broadcast %sign3A_101 : i32 to vector<80x256xi32>
    %sign3A_103 = arith.cmpi sgt, %iota3A_73, %sign3A_102 : vector<80x256xi32>
    %sign3A_104 = arith.extui %sign3A_103 : vector<80x256xi1> to vector<80x256xi32>
    %sign3A_105 = arith.constant 0 : i32
    %sign3A_106 = vector.broadcast %sign3A_105 : i32 to vector<80x256xi32>
    %sign3A_107 = arith.cmpi slt, %iota3A_73, %sign3A_106 : vector<80x256xi32>
    %sign3A_108 = arith.extui %sign3A_107 : vector<80x256xi1> to vector<80x256xi32>
    %sign3A_109 = arith.subi %sign3A_104, %sign3A_108 : vector<80x256xi32>
    %sign3A_110 = arith.constant 0 : i32
    %sign3A_111 = arith.cmpi sgt, %jit3A_98, %sign3A_110 : i32
    %sign3A_112 = arith.extui %sign3A_111 : i1 to i32
    %sign3A_113 = arith.constant 0 : i32
    %sign3A_114 = arith.cmpi slt, %jit3A_98, %sign3A_113 : i32
    %sign3A_115 = arith.extui %sign3A_114 : i1 to i32
    %sign3A_116 = arith.subi %sign3A_112, %sign3A_115 : i32
    %ne3A_117 = vector.broadcast %sign3A_116 : i32 to vector<80x256xi32>
    %ne3A_118 = arith.cmpi ne, %sign3A_109, %ne3A_117 : vector<80x256xi32>
    %rem3A_119 = vector.broadcast %jit3A_98 : i32 to vector<80x256xi32>
    %rem3A_120 = arith.remsi %iota3A_73, %rem3A_119 : vector<80x256xi32>
    %ne3A_121 = arith.constant 0 : i32
    %ne3A_122 = vector.broadcast %ne3A_121 : i32 to vector<80x256xi32>
    %ne3A_123 = arith.cmpi ne, %rem3A_120, %ne3A_122 : vector<80x256xi32>
    %and3A_124 = arith.andi %ne3A_118, %ne3A_123 : vector<80x256xi1>
    %sub3A_125 = arith.constant 1 : i32
    %sub3A_126 = vector.broadcast %sub3A_125 : i32 to vector<80x256xi32>
    %sub3A_127 = arith.subi %div3A_100, %sub3A_126 : vector<80x256xi32>
    %select_n3A_128 = arith.select %and3A_124, %sub3A_127, %div3A_100 : vector<80x256xi1>, vector<80x256xi32>
    %eq3A = arith.cmpi eq, %select_n3A, %select_n3A_128 : vector<80x256xi32>
    %convert_element_type3A = arith.extui %eq3A : vector<80x256xi1> to vector<80x256xi32>
    %convert_element_type3A_129 = arith.sitofp %convert_element_type3A : vector<80x256xi32> to vector<80x256xf32>
    %broadcast_in_dim3A_130 = vector.shape_cast %convert_element_type3A_129 : vector<80x256xf32> to vector<1x80x256xf32>
    %mul3A_131 = vector.broadcast %broadcast_in_dim3A_130 : vector<1x80x256xf32> to vector<25x80x256xf32>
    %mul3A_132 = arith.mulf %reshape3A, %mul3A_131 : vector<25x80x256xf32>
    %convert_element_type3A_133 = arith.truncf %mul3A_132 : vector<25x80x256xf32> to vector<25x80x256xbf16>
    %get3A_134 = arith.constant 0 : index
    %get3A_135 = arith.constant 0 : index
    %get3A_136 = arith.constant 0 : index
    %get3A_137 = vector.load %arg1[%get3A_134, %get3A_135, %get3A_136] : memref<25x256x128xf32, #tpu.memory_space<vmem>>, vector<25x256x128xf32>
    %convert_element_type3A_138 = arith.truncf %get3A_137 : vector<25x256x128xf32> to vector<25x256x128xbf16>
    %dot_general3A = arith.constant dense<0.000000e+00> : vector<25x80x128xf32>
    %dot_general3A_139 = tpu.matmul %convert_element_type3A_133, %convert_element_type3A_138, %dot_general3A {dimension_numbers = #tpu.dot_dimension_numbers<[2], [1], [1], [2], [0, 0, 0, 1, 1, 2], [0], [0]>, transpose_lhs_hint = false} : vector<25x80x256xbf16>, vector<25x256x128xbf16>, vector<25x80x128xf32> -> vector<25x80x128xf32>
    %reshape3A_140 = vector.shape_cast %dot_general3A_139 : vector<25x80x128xf32> to vector<200x1280xf32>
    %convert_element_type3A_141 = arith.truncf %reshape3A_140 : vector<200x1280xf32> to vector<200x1280xbf16>
    %get3A_142 = arith.constant 0 : index
    %get3A_143 = arith.constant 0 : index
    %get3A_144 = vector.load %arg4[%get3A_142, %get3A_143] : memref<1280x128xbf16, #tpu.memory_space<vmem>>, vector<1280x128xbf16>
    %dot_general3A_145 = arith.constant dense<0.000000e+00> : vector<200x128xf32>
    %dot_general3A_146 = tpu.matmul %convert_element_type3A_141, %get3A_144, %dot_general3A_145 {dimension_numbers = #tpu.dot_dimension_numbers<[1], [0], [0], [1], [0, 0, 1, 1], [], []>, transpose_lhs_hint = false} : vector<200x1280xbf16>, vector<1280x128xbf16>, vector<200x128xf32> -> vector<200x128xf32>
    %swap3A = arith.constant 0 : index
    %swap3A_147 = arith.constant 0 : index
    %swap3A_148 = vector.load %arg5[%swap3A, %swap3A_147] : memref<200x128xf32, #tpu.memory_space<vmem>>, vector<200x128xf32>
    tpu.vector_store %arg5[%swap3A, %swap3A_147], %dot_general3A_146 {strides = array<i32>} : memref<200x128xf32, #tpu.memory_space<vmem>>, vector<200x128xf32>,
    return
  }
  func.func @transform_0(%arg0: i32) -> (i32, i32, i32) {
    %c0_i32 = arith.constant 0 : i32
    %c0_i32_0 = arith.constant 0 : i32
    %c0_i32_1 = arith.constant 0 : i32
    return %arg0, %c0_i32, %c0_i32_0 : i32, i32, i32
  }
  func.func @transform_1(%arg0: i32) -> (i32, i32, i32) {
    %c0_i32 = arith.constant 0 : i32
    %c0_i32_0 = arith.constant 0 : i32
    %c0_i32_1 = arith.constant 0 : i32
    return %arg0, %c0_i32, %c0_i32_0 : i32, i32, i32
  }
  func.func @transform_2(%arg0: i32) -> (i32, i32, i32) {
    %c0_i32 = arith.constant 0 : i32
    %c0_i32_0 = arith.constant 0 : i32
    %c0_i32_1 = arith.constant 0 : i32
    return %arg0, %c0_i32, %c0_i32_0 : i32, i32, i32
  }
  func.func @transform_3(%arg0: i32) -> (i32, i32) {
    %c0_i32 = arith.constant 0 : i32
    %c0_i32_0 = arith.constant 0 : i32
    %c0_i32_1 = arith.constant 0 : i32
    return %c0_i32, %c0_i32_0 : i32, i32
  }
  func.func @transform_4(%arg0: i32) -> (i32, i32) {
    %c0_i32 = arith.constant 0 : i32
    %c0_i32_0 = arith.constant 0 : i32
    return %arg0, %c0_i32 : i32, i32
  }
}

</mosaic_0001>

<sc_bundles>
// kernel: kernel.4.cloned.1.call-start
scs
__scs_entry_jumppad:
0x0: {  	(pc) =	sbr.rel $0x88, $3  }
0x1: {  	(tag) =	ssettag $0x0;
	lr =	simm.s32 $0x1  }
0x2: {  	[smem:$0x3F9C] =	sst lr;
	_ =	strace $0xD0000000  }
0x3: {  	_ = 	snop  }
0x4: {  	_ = 	snop  }
0x5: {  	_ = 	snop  }
0x6: {  	_ = 	snop  }
0x7: {  	_ = 	snop  }
__scs_overlays_trampoline_lowered:
0x8: {  	[smem:$0x3FAB] =	sst s0  }
0x9: {  	[smem:$0x3FAC] =	sst s1  }
0xa: {  	[smem:$0x3FAD] =	sst s2  }
0xb: {  	[smem:$0x3FAE] =	sst s3  }
0xc: {  	[smem:$0x3FAF] =	sst s4  }
0xd: {  	[smem:$0x3FB0] =	sst s5  }
0xe: {  	[smem:$0x3FB1] =	sst s6  }
0xf: {  	[smem:$0x3FB2] =	sst s7  }
0x10: {  	[smem:$0x3FB3] =	sst s8  }
0x11: {  	[smem:$0x3FB4] =	sst s9;
	s0 =	simm.s32 @!p0 $0x0  }
0x12: {  	s1 =	sld [smem:$0x3F9A];
	s0 =	simm.s32 @p0 $0x1  }
0x13: {  	[smem:$0x3FB5] =	sst s0;
	s0 =	simm.s32 @!p1 $0x0  }
0x14: {  	s2 =	sld [smem:$0x3F99];
	s0 =	simm.s32 @p1 $0x1  }
0x15: {  	[smem:$0x3FB6] =	sst s0;
	s0 =	simm.s32 @!p2 $0x0  }
0x16: {  	s3 =	sld [smem:$0x3FDB];
	s0 =	simm.s32 @p2 $0x1  }
0x17: {  	s4 =	simm.s32 $0x1BF5;
	[smem:$0x3FB8] =	sst s0  }
0x18: {  	s0 =	sld [smem:$0x3F9B];
	_ =	swait.ge [sflag:s4], $0x0  }
0x19: {  	s7 =	sld [smem:$0x3F9C]  }
0x1a: {  	s8 =	sadd.s32 $0xFFFFE003, lr  }
0x1b: {  	s9 =	sadd.s32 $0xFFFFFEF7, lr;
	s5 =	simm.s32 $0xFFFFFFFF;
	p2 =	slt.u32 s8, $0xFFFFF086  }
0x1c: {  	p1 =	slt.u32 s9, $0xF7A;
	s5 =	simm.s32 @!p2 $0x0  }
0x1d: {  	s5 =	simm.s32 @p1 $0x1;
	p0 =	seq.s32 s7, s2  }
0x1e: {  	s7 =	smul.u32 @!p0 $0xF7A, s2;
	p2 =	seq.s32 @!p0 s5, $0x0  }
0x1f: {  	s9 =	smul.u32 $0xF7A, s1;
	s8 =	simm.s32 @!p0 $0x1BF5;
	p2 =	por !p2, p0  }
0x20: {  	[sflag:s8] =	ssyncset.s32 @!p0 $0xFFFFF086;
	s6 =	sadd.s32 @!p0 s3, s7;
	s7 =	simm.s32 @!p0 $0x108  }
0x21: {  	s3 =	sadd.s32 s3, s9;
	s6 =	sadd.s32 @!p0 $0x88, s6;
	s7 =	simm.s32 @p2 $0x1082  }
0x22: {  	[simem:s7], [sflag:s8] =	dma.local @!p0 [hbm:s6], $0xF7A  }
0x23: {  	s9 =	sor.u32 $0xD0000000, s2;
	s6 =	simm.s32 $0x108;
	_ =	swait.ge @!p0 [sflag:s8], $0x0  }
0x24: {  	s3 =	sadd.s32 $0x88, s3;
	s6 =	simm.s32 @!p1 $0x1082;
	[sflag:s4] =	ssyncset.s32 $0xFFFFF086  }
0x25: {  	[simem:s6], [sflag:s4] =	dma.local [hbm:s3], $0xF7A  }
0x26: {  	[smem:$0x3F9C] =	sst s1;
	(tag) =	ssettag s2;
	_ =	strace s9  }
0x27: {  	s1 =	sld [smem:$0x3FAC]  }
0x28: {  	s2 =	sld [smem:$0x3FAD]  }
0x29: {  	s4 =	sld [smem:$0x3FAF]  }
0x2a: {  	p0 =	seq.s32 s5, $0x0;
	s5 =	sld [smem:$0x3FB0]  }
0x2b: {  	s6 =	sld [smem:$0x3FB1]  }
0x2c: {  	s7 =	sld [smem:$0x3FB2]  }
0x2d: {  	s3 =	simm.s32 $0x108;
	s8 =	sld [smem:$0x3FB3]  }
0x2e: {  	s3 =	simm.s32 @!p0 $0x1082;
	s9 =	sld [smem:$0x3FB4]  }
0x2f: {  	lr =	sadd.s32 s0, s3;
	s0 =	sld [smem:$0x3FAB]  }
0x30: {  	s3 =	sld [smem:$0x3FAE]  }
0x31: {  	[smem:$0x3FB7] =	sst s10  }
0x32: {  	s10 =	sld [smem:$0x3FB5];
	_ =	sdelay $0x3  }
0x33: {  	p0 =	seq.s32 s10, $0x1;
	s10 =	sld [smem:$0x3FB7];
	_ =	sdelay $0x3  }
0x34: {  	[smem:$0x3FB7] =	sst s10  }
0x35: {  	s10 =	sld [smem:$0x3FB6];
	_ =	sdelay $0x3  }
0x36: {  	p1 =	seq.s32 s10, $0x1;
	s10 =	sld [smem:$0x3FB7];
	_ =	sdelay $0x3  }
0x37: {  	[smem:$0x3FB7] =	sst s10  }
0x38: {  	s10 =	sld [smem:$0x3FB8]  }
0x39: {  	_ = 	snop;
	(pc) =	sbr.ind lr, $3  }
0x3a: {  	_ = 	snop  }
0x3b: {  	_ = 	snop  }
0x3c: {  	p2 =	seq.s32 s10, $0x1;
	s10 =	sld [smem:$0x3FB7]  }
0x3d: {  	_ =	shalt  }
0x3e: {  	_ =	shalt  }
0x3f: {  	_ =	shalt  }
0x40: {  	_ =	shalt  }
0x41: {  	_ =	shalt  }
0x42: {  	_ =	shalt  }
0x43: {  	_ =	shalt  }
0x44: {  	_ =	shalt  }
0x45: {  	_ =	shalt  }
0x46: {  	_ =	shalt  }
0x47: {  	_ =	shalt  }
0x48: {  	_ =	shalt  }
0x49: {  	_ =	shalt  }
0x4a: {  	_ =	shalt  }
0x4b: {  	_ =	shalt  }
0x4c: {  	_ =	shalt  }
0x4d: {  	_ =	shalt  }
0x4e: {  	_ =	shalt  }
0x4f: {  	_ =	shalt  }
0x50: {  	_ =	shalt  }
0x51: {  	_ =	shalt  }
0x52: {  	_ =	shalt  }
0x53: {  	_ =	shalt  }
0x54: {  	_ =	shalt  }
0x55: {  	_ =	shalt  }
0x56: {  	_ =	shalt  }
0x57: {  	_ =	shalt  }
0x58: {  	_ =	shalt  }
0x59: {  	_ =	shalt  }
0x5a: {  	_ =	shalt  }
0x5b: {  	_ =	shalt  }
0x5c: {  	_ =	shalt  }
0x5d: {  	_ =	shalt  }
0x5e: {  	_ =	shalt  }
0x5f: {  	_ =	shalt  }
0x60: {  	_ =	shalt  }
0x61: {  	_ =	shalt  }
0x62: {  	_ =	shalt  }
0x63: {  	_ =	shalt  }
0x64: {  	_ =	shalt  }
0x65: {  	_ =	shalt  }
0x66: {  	_ =	shalt  }
0x67: {  	_ =	shalt  }
0x68: {  	_ =	shalt  }
0x69: {  	_ =	shalt  }
0x6a: {  	_ =	shalt  }
0x6b: {  	_ =	shalt  }
0x6c: {  	_ =	shalt  }
0x6d: {  	_ =	shalt  }
0x6e: {  	_ =	shalt  }
0x6f: {  	_ =	shalt  }
0x70: {  	_ =	shalt  }
0x71: {  	_ =	shalt  }
0x72: {  	_ =	shalt  }
0x73: {  	_ =	shalt  }
0x74: {  	_ =	shalt  }
0x75: {  	_ =	shalt  }
0x76: {  	_ =	shalt  }
0x77: {  	_ =	shalt  }
0x78: {  	_ =	shalt  }
0x79: {  	_ =	shalt  }
0x7a: {  	_ =	shalt  }
0x7b: {  	_ =	shalt  }
0x7c: {  	_ =	shalt  }
0x7d: {  	_ =	shalt  }
0x7e: {  	_ =	shalt  }
0x7f: {  	_ =	shalt  }
0x80: {  	_ =	shalt  }
0x81: {  	_ =	shalt  }
0x82: {  	_ =	shalt  }
0x83: {  	_ =	shalt  }
0x84: {  	_ =	shalt  }
0x85: {  	_ =	shalt  }
0x86: {  	_ =	shalt  }
0x87: {  	_ =	shalt  }
.Lfunc_end0:
.L_simem_size_0:
called_computation_lowered:
.L_overlay_start_0:
0x88: {  	s2 =	sld [smem:$0x3FD9]  }
0x89: {  	s3 =	sld [smem:$0x3FFE];
	_ =	sdelay $0x1  }
0x8a: {  	s1 =	srdreg.scid  }
0x8b: {  	s0 =	sand.u32 $0x1, s1  }
0x8c: {  	s17 =	sshll.u32 s0, $0xA;
	s2 =	sadd.s32 s3, s2  }
0x8d: {  	s2 =	sadd.s32 s2, s17  }
0x8e: {  	[smem:$0x3FC3] =	sst s2  }
0x8f: {  	_ = 	snop  }
0x90: {  	s2 =	sld [smem:$0x3FC9]  }
0x91: {  	s18 =	sld [smem:$0x3FD0];
	(tm) =	ssettm $0x1  }
0x92: {  	s4 =	sld [smem:$0x3FFB];
	_ =	sdelay $0x3  }
0x93: {  	_ =	strace s4  }
0x94: {  	s4 =	sld [smem:$0x3FFC];
	_ =	sdelay $0x3  }
0x95: {  	_ =	strace s4  }
0x96: {  	s4 =	sld [smem:$0x3FFD];
	_ =	sdelay $0x3  }
0x97: {  	_ =	strace s4  }
0x98: {  	_ =	strace $0x8FFFFFFF  }
0x99: {  	s19 =	sld [smem:$0x3FDB];
	_ =	sdelay $0x1  }
0x9a: {  	s5 =	simm.s32 $_scs_section_size  }
0x9b: {  	s6 =	simm.s32 $_size__tile_overlayer_lowered;
	s7 =	simm.s32 $_tile_overlayer_lowered  }
0x9c: {  	s22 =	simm.s32 $0x1BFF;
	s21 =	sshll.u32 s7, $0x1;
	s4 =	sadd.s32 s5, s19  }
0x9d: {  	s8 =	simm.s32 $0x0;
	s20 =	sshll.u32 s6, $0x1;
	s6 =	sadd.s32 s21, s4  }
0x9e: {  	[timem:s8], [sflag:s22] =	dma.local [hbm:s6], s20  }
0x9f: {  	_ =	swait.ge [sflag:s22], s20  }
0xa0: {  	s5 =	ssub.s32 $0x0, s20;
	[sflag:s22] =	ssyncset.done $0x0  }
0xa1: {  	[sflag:s22] =	ssyncadd.s32 s5;
	_ =	sdelay $0x1  }
0xa2: {  	s23 =	simm.s32 $0x1B8B  }
0xa3: {  	_ =	swait.ge [sflag:s23], $0x1  }
0xa4: {  	[sflag:s23] =	ssyncset.done $0x0  }
0xa5: {  	s25 =	simm.s32 $0x1B8E;
	s24 =	sld [smem:$0x3FFE];
	[sflag:s23] =	ssyncadd.s32 $0xFFFFFFFF  }
0xa6: {  	s26 =	simm.s32 $execute0_lowered;
	[smem:$0x3FD2] =	sst s25  }
0xa7: {  	s6 =	sshll.u32 s26, $0x1;
	_ =	strace $0x80000046;
	[dreg:$0x1] =	wrdreg $0xFFFFFFFF  }
0xa8: {  	s28 =	simm.s32 $_size_execute0_lowered;
	s4 =	sadd.s32 s4, s6;
	[dreg:$0x0] =	wrdreg $0x0  }
0xa9: {  	s6 =	sshll.u32 s28, $0x1;
	[dreg:$0x2] =	wrdreg s4  }
0xaa: {  	[dreg:$0x3] =	wrdreg s6  }
0xab: {  	[dreg:$0x4] =	wrdreg $0xC0  }
0xac: {  	_ =	task [dreg:s8], $0x5FFFF  }
0xad: {  	[dreg:$0x1] =	wrdreg $0xFFFFFFFF  }
0xae: {  	[dreg:$0x0] =	wrdreg $0x60  }
0xaf: {  	[dreg:$0x2] =	wrdreg s2  }
0xb0: {  	[dreg:$0x3] =	wrdreg s24  }
0xb1: {  	[dreg:$0x4] =	wrdreg s18  }
0xb2: {  	[dreg:$0x5] =	wrdreg $0x9  }
0xb3: {  	_ =	task.clear_ibuf [dreg:s8], $0x6FFFF;
	_ =	strace $0x90000046  }
0xb4: {  	s29 =	simm.s32 $0x9;
	_ =	strace $0x80000048  }
0xb5: {  	_ =	swait.ge [sflag:s29], $0x1  }
0xb6: {  	[sflag:s29] =	ssyncadd.s32 $0xFFFFFFFF  }
0xb7: {  	_ =	strace $0x90000048  }
0xb8: {  	_ =	sfence  }
0xb9: {  	s30 =	sld [smem:$0x0];
	_ =	sdelay $0x2  }
0xba: {  	s31 =	sshll.u32 s1, $0xD;
	s1 =	sshrl.u32 s1, $0x2  }
0xbb: {  	s3 =	sand.u32 $0x4000, s31;
	s1 =	sadd.s32 s1, s30  }
0xbc: {  	s0 =	sor.u32 s3, s0;
	s1 =	sshll.u32 s1, $0x11  }
0xbd: {  	s0 =	sor.u32 s1, s0  }
0xbe: {  	s0 =	sadd.s32 $0x8F2B, s0  }
0xbf: {  	[sflag:s0] =	ssyncadd.remote.s32 $0x1  }
0xc0: {  	_ =	sfence.sel $0xFFFF  }
0xc1: {  	[dreg:$0x0] =	wrdreg $0xFFFFFFFF;
	(pc) =	sbr.abs _section_cstart, $3  }
0xc2: {  	[dreg:$0x1] =	wrdreg $0xFFFFFFFF  }
0xc3: {  	_ =	task.clear_ibuf [dreg:s8], $0x2FFFF;
	_ =	strace $0x9FFFFFFF  }
0xc4: {  	(tm) =	ssettm $0x7FFFFFFF  }
0xc5: {  	_ =	shalt  }
tec
execute0_lowered:
.L_overlay_start_1:
0x0: {  	(tag) =	ssettag $0x1  }
0x1: {  	s1 =	rddreg [dreg:$0x0]  }
0x2: {  	s6 =	rddreg [dreg:$0x1]  }
0x3: {  	s0 =	rddreg [dreg:$0x2]  }
0x4: {  	s4 =	simm.s32 $0x0;
	s2 =	srdreg.scid;
	s11 =	stileid.u32  }
0x5: {  	s16 =	simm.s32 $0xC980;
	s17 =	simm.s32 $0xF100;
	s18 =	simm.s32 $0x11880  }
0x6: {  	s29 =	simm.s32 $0x3;
	s31 =	simm.s32 $0x4;
	[smem:$0x7FF] =	sst s4  }
0x7: {  	s2 =	sand.u32 $0x1, s2;
	s3 =	sshll.u32 s11, $0x1;
	s5 =	sadd.s32 $0xC00, s6  }
0x8: {  	s19 =	sadd.s32 $0x600, s6;
	s8 =	sadd.s32 $0xB000, s6;
	s21 =	smul.u32 $0x4E20, s11  }
0x9: {  	s9 =	sadd.s32 $0x1200, s6;
	s12 =	smul.u32 $0x4E200, s11;
	s6 =	simm.s32 $0x8  }
0xa: {  	_ =	strace $0x80000047;
	s3 =	sor.u32 s2, s3;
	[dreg:$0x4] =	wrdreg s5  }
0xb: {  	[dreg:$0x5] =	wrdreg s19;
	s20 =	ssub.s32 $0x2, s2;
	s10 =	smul.u32 $0x2710, s2  }
0xc: {  	s24 =	smul.u32 $0x27100, s2;
	s19 =	simm.s32 $0x2780;
	s2 =	simm.s32 $0x6  }
0xd: {  	s5 =	simm.s32 $0x7;
	s7 =	smul.u32 $0x2710, s3;
	s22 =	sshrl.u32 s20, $0x1  }
0xe: {  	s26 =	sadd.s32 s12, s8;
	s3 =	ssub.s32 s20, s22;
	s11 =	sadd.s32 s10, s21  }
0xf: {  	s21 =	simm.s32 $0x7780;
	s22 =	simm.s32 $0x50;
	s10 =	simm.s32 $0x0  }
.Ltmp0:
0x10: {  	s23 =	sshrl.u32 s7, $0x3;
	s25 =	smax.u32 s3, $0x1;
	(pc) =	sbr.rel .LBB2_1-.Ltmp0, $4  }
0x11: {  	s28 =	sshrl.u32 s11, $0x3;
	s0 =	sadd.s32 s0, s23;
	[dreg:$0x7] =	wrdreg s25  }
0x12: {  	s3 =	simm.s32 $0x5;
	s30 =	sadd.s32 s28, s9;
	[dreg:$0x6] =	wrdreg s0  }
0x13: {  	s23 =	simm.s32 $0x9F80;
	s0 =	sadd.s32 s24, s26;
	[dreg:$0x9] =	wrdreg s30  }
0x14: {  	s24 =	simm.s32 $0x1;
	s26 =	simm.s32 $0x2;
	[dreg:$0x8] =	wrdreg s0  }
.LBB2_11:
0x15: {  	_ =	swait.ge [sflag:s3], $0x2800  }
0x16: {  	[sflag:s3] =	ssyncset.done $0x0  }
0x17: {  	[sflag:s3] =	ssyncadd.s32 $0xFFFFD800  }
0x18: {  	_ =	swait.ge [sflag:s3], $0x50  }
0x19: {  	[sflag:s3] =	ssyncset.done $0x0  }
0x1a: {  	[sflag:s3] =	ssyncadd.s32 $0xFFFFFFB0  }
0x1b: {  	_ =	swait.ge [sflag:s2], $0x2800  }
0x1c: {  	[sflag:s2] =	ssyncset.done $0x0  }
0x1d: {  	[sflag:s2] =	ssyncadd.s32 $0xFFFFD800  }
0x1e: {  	_ =	swait.ge [sflag:s2], $0x50  }
0x1f: {  	[sflag:s2] =	ssyncset.done $0x0  }
0x20: {  	[sflag:s2] =	ssyncadd.s32 $0xFFFFFFB0  }
0x21: {  	_ =	swait.ge [sflag:s5], $0x2800  }
0x22: {  	[sflag:s5] =	ssyncset.done $0x0  }
0x23: {  	[sflag:s5] =	ssyncadd.s32 $0xFFFFD800  }
0x24: {  	_ =	swait.ge [sflag:s5], $0x50  }
0x25: {  	[sflag:s5] =	ssyncset.done $0x0  }
0x26: {  	[sflag:s5] =	ssyncadd.s32 $0xFFFFFFB0  }
0x27: {  	_ =	swait.ge [sflag:s6], $0x2800  }
0x28: {  	[sflag:s6] =	ssyncset.done $0x0  }
0x29: {  	[sflag:s6] =	ssyncadd.s32 $0xFFFFD800  }
0x2a: {  	_ =	swait.ge [sflag:s6], $0x50  }
0x2b: {  	s10 =	rddreg [dreg:$0xa]  }
0x2c: {  	s0 =	rddreg [dreg:$0x7];
	s10 =	sadd.s32 $0x1, s10  }
0x2d: {  	p0 =	sne.s32 s10, s0  }
.Ltmp1:
0x2e: {  	_ = 	snop;
	(pc) =	sbr.rel @!p0 .LBB2_12-.Ltmp1, $3  }
0x2f: {  	_ =	sdelay $0x1  }
0x30: {  	[sflag:s6] =	ssyncset.done $0x0  }
0x31: {  	[sflag:s6] =	ssyncadd.s32 $0xFFFFFFB0  }
.LBB2_1:
0x32: {  	[dreg:$0xa] =	wrdreg s10  }
0x33: {  	s0 =	rddreg [dreg:$0x6];
	s20 =	simm.s32 $0x9  }
0x34: {  	[tilespmem:s4], [sflag:$0x9] =	stream.linear.gather [hbm4b:s0+s4], $0x2710, $0x38;
	[tilespmem:$0x14000] =	vst v63  }
0x35: {  	_ =	swait.ge [sflag:s20], $0x2710  }
0x36: {  	[sflag:s20] =	ssyncset.done $0x0  }
0x37: {  	s25 =	rddreg [dreg:$0x4];
	[sflag:s20] =	ssyncadd.s32 $0xFFFFD8F0  }
0x38: {  	[tilespmem:s16], [sflag:$0x9] =	stream.linear.gather [hbm4b:s25+s4], $0x2780, $0x38;
	[tilespmem:$0x14000] =	vst v63  }
0x39: {  	_ =	swait.ge [sflag:s20], $0x2780  }
0x3a: {  	[sflag:s20] =	ssyncset.done $0x0  }
0x3b: {  	s28 =	rddreg [dreg:$0x5];
	[sflag:s20] =	ssyncadd.s32 $0xFFFFD880  }
0x3c: {  	[tilespmem:s17], [sflag:$0x9] =	stream.linear.gather [hbm4b:s28+s4], $0x2780, $0x38;
	[tilespmem:$0x14000] =	vst v63  }
0x3d: {  	_ =	swait.ge [sflag:s20], $0x2780  }
0x3e: {  	[sflag:s20] =	ssyncset.done $0x0  }
0x3f: {  	[sflag:s20] =	ssyncadd.s32 $0xFFFFD880  }
.Ltmp2:
0x40: {  	s30 =	rddreg [dreg:$0x1];
	(pc) =	sbr.rel .LBB2_2-.Ltmp2, $4  }
0x41: {  	[tilespmem:s18], [sflag:$0x9] =	stream.linear.gather [hbm4b:s30+s4], $0x2780, $0x38;
	[tilespmem:$0x14000] =	vst v63  }
0x42: {  	s12 =	simm.s32 $0xA0;
	_ =	swait.ge [sflag:s20], $0x2780  }
0x43: {  	s15 =	simm.s32 $0x3;
	[sflag:s20] =	ssyncset.done $0x0;
	s14 =	rddreg [dreg:$0x9]  }
0x44: {  	s10 =	simm.s32 $0x0;
	s13 =	rddreg [dreg:$0x8];
	[sflag:s20] =	ssyncadd.s32 $0xFFFFD880  }
.LBB2_10:
0x45: {  	s12 =	sadd.s32 $0x140, s12  }
0x46: {  	p0 =	sne.s32 s12, $0x28A0  }
.Ltmp3:
0x47: {  	_ = 	snop;
	(pc) =	sbr.rel @!p0 .LBB2_11-.Ltmp3, $3  }
0x48: {  	_ =	sdelay $0x1  }
0x49: {  	s10 =	sadd.s32 $0x140, s10  }
0x4a: {  	s15 =	sadd.s32 $0x4, s15;
	s13 =	sadd.s32 $0x1400, s13;
	s14 =	sadd.s32 $0x28, s14  }
.LBB2_2:
0x4b: {  	p0 =	seq.s32 s12, $0xA0  }
.Ltmp4:
0x4c: {  	_ = 	snop;
	(pc) =	sbr.rel @!p0 .LBB2_3-.Ltmp4, $1  }
0x4d: {  	_ =	sdelay $0x3  }
0x4e: {  	s0 =	simm.s32 $0x50  }
0x4f: {  	[tilespmem:s19], [sflag:$0x1] =	stream.indirect.gather [hbm4b:s1+s0], $0x80, s4, s0, $0xb8;
	[tilespmem:$0x14000] =	vst v63  }
.Ltmp5:
0x50: {  	_ = 	snop;
	(pc) =	sbr.rel .LBB2_7-.Ltmp5, $4  }
0x51: {  	s20 =	simm.s32 $0x4F80  }
0x52: {  	[tilespmem:s20], [sflag:$0x2] =	stream.indirect.gather [hbm4b:s1+s0], $0x80, s0, s0, $0xb8;
	[tilespmem:$0x14000] =	vst v63  }
0x53: {  	s30 =	simm.s32 $0xA0;
	s25 =	simm.s32 $0x3  }
0x54: {  	[tilespmem:s21], [sflag:$0x3] =	stream.indirect.gather [hbm4b:s1+s0], $0x80, s30, s0, $0xb8;
	[tilespmem:$0x14000] =	vst v63  }
.LBB2_3:
0x55: {  	_ =	swait.ge [sflag:s3], $0x2800;
	s0 =	sadd.s32 $0xFFFFFFFE, s15  }
0x56: {  	[sflag:s3] =	ssyncset.done $0x0;
	p0 =	sgt.u32 s0, $0x7C  }
.Ltmp6:
0x57: {  	[sflag:s3] =	ssyncadd.s32 $0xFFFFD800;
	(pc) =	sbr.rel @p0 .LBB2_4-.Ltmp6, $4  }
0x58: {  	_ =	swait.ge [sflag:s3], $0x50  }
0x59: {  	[sflag:s3] =	ssyncset.done $0x0  }
0x5a: {  	[sflag:s3] =	ssyncadd.s32 $0xFFFFFFB0  }
0x5b: {  	[tilespmem:s19], [sflag:$0x1] =	stream.indirect.gather [hbm4b:s1+s22], $0x80, s10, s22, $0xb8;
	[tilespmem:$0x14000] =	vst v63  }
0x5c: {  	_ =	swait.ge [sflag:s2], $0x2800  }
0x5d: {  	[sflag:s2] =	ssyncset.done $0x0  }
0x5e: {  	[sflag:s2] =	ssyncadd.s32 $0xFFFFD800  }
0x5f: {  	_ =	swait.ge [sflag:s2], $0x50  }
0x60: {  	[sflag:s2] =	ssyncset.done $0x0  }
0x61: {  	s0 =	sadd.s32 $0x50, s10;
	s20 =	simm.s32 $0x4F80;
	[sflag:s2] =	ssyncadd.s32 $0xFFFFFFB0  }
0x62: {  	[tilespmem:s20], [sflag:$0x2] =	stream.indirect.gather [hbm4b:s1+s22], $0x80, s0, s22, $0xb8;
	[tilespmem:$0x14000] =	vst v63  }
0x63: {  	_ =	swait.ge [sflag:s5], $0x2800  }
0x64: {  	[sflag:s5] =	ssyncset.done $0x0  }
0x65: {  	[sflag:s5] =	ssyncadd.s32 $0xFFFFD800  }
0x66: {  	_ =	swait.ge [sflag:s5], $0x50  }
0x67: {  	[sflag:s5] =	ssyncset.done $0x0  }
0x68: {  	s28 =	sadd.s32 $0xA0, s10;
	[sflag:s5] =	ssyncadd.s32 $0xFFFFFFB0  }
0x69: {  	[tilespmem:s21], [sflag:$0x3] =	stream.indirect.gather [hbm4b:s1+s22], $0x80, s28, s22, $0xb8;
	[tilespmem:$0x14000] =	vst v63  }
0x6a: {  	_ =	swait.ge [sflag:s6], $0x2800  }
0x6b: {  	[sflag:s6] =	ssyncset.done $0x0  }
0x6c: {  	[sflag:s6] =	ssyncadd.s32 $0xFFFFD800  }
0x6d: {  	_ =	swait.ge [sflag:s6], $0x50  }
0x6e: {  	s30 =	smov.u32 s12;
	[sflag:s6] =	ssyncset.done $0x0  }
0x6f: {  	s25 =	smov.u32 s15;
	s0 =	sadd.s32 $0xFFFFFFB0, s12;
	[sflag:s6] =	ssyncadd.s32 $0xFFFFFFB0  }
.LBB2_7:
0x70: {  	s28 =	smul.u32 $0x140, s25  }
.Ltmp7:
0x71: {  	_ = 	snop;
	(pc) =	sbr.rel .LBB2_8-.Ltmp7, $4  }
0x72: {  	_ = 	snop  }
0x73: {  	s28 =	sshra.s32 s28, $0x2  }
0x74: {  	[tilespmem:s23], [sflag:$0x4] =	stream.indirect.gather [hbm4b:s1+s22], $0x80, s28, s22, $0xb8;
	[tilespmem:$0x14000] =	vst v63  }
0x75: {  	p0 =	por $0x1, $0x1;
	s28 =	smul.u32 $0x50, s25  }
.LBB2_4:
0x76: {  	s30 =	simm.s32 $0x2760  }
0x77: {  	s0 =	simm.s32 $0x2710;
	p0 =	por $0x0, $0x0;
	s28 =	simm.s32 $0x27B0  }
.LBB2_8:
0x78: {  	s25 =	sadd.s32 s12, s11;
	v0 =	vld [tilespmem:s10+$0x0]  }
0x79: {  	s20 =	sadd.s32 $0xFFFFFF60, s25  }
0x7a: {  	v1 =	vmov s20  }
0x7b: {  	v1 =	vshrl.u32 v1, $0x5  }
0x7c: {  	v1 =	vbroadcast v1, $0x0;
	_ =	sdelay $0x3  }
0x7d: {  	v2 =	vld.idx.msk [tilespmem:v0+s16+$0x0], $0xffff  }
0x7e: {  	v4 =	vld.idx.msk [tilespmem:v0+s17+$0x0], $0xffff  }
0x7f: {  	v3 =	vld.idx.msk [tilespmem:v1+s16+$0x0], $0xffff  }
0x80: {  	v5 =	vld.idx.msk [tilespmem:v1+s17+$0x0], $0xffff  }
0x81: {  	v0 =	vld.idx.msk [tilespmem:v0+s18+$0x0], $0xffff  }
0x82: {  	v1 =	vld.idx.msk [tilespmem:v1+s18+$0x0], $0xffff;
	_ =	sdelay $0x2  }
0x83: {  	v2 =	vsub.f32 v2, v3;
	v29 =	vsub.f32 v4, v5;
	_ =	sdelay $0x1  }
0x84: {  	v0 =	vsub.f32 v0, v1;
	v30 =	vmul.f32 v2, v2;
	v31 =	vmul.f32 v29, v29;
	_ =	sdelay $0x1  }
0x85: {  	v0 =	vmul.f32 v0, v0;
	v1 =	vadd.f32 v31, v30;
	_ =	sdelay $0x1  }
0x86: {  	s20 =	sadd.s32 $0xFFFFFF70, s25;
	v0 =	vadd.f32 v0, v1  }
0x87: {  	v32 =	vmov s20  }
0x88: {  	v1 =	vshrl.u32 v32, $0x5;
	[tilespmem:$0xC780] =	vst v0  }
0x89: {  	v1 =	vbroadcast v1, $0x0;
	v0 =	vld [tilespmem:s10+$0x10];
	_ =	sdelay $0x5  }
0x8a: {  	v34 =	vld.idx.msk [tilespmem:v1+s16+$0x0], $0xffff  }
0x8b: {  	v36 =	vld.idx.msk [tilespmem:v1+s17+$0x0], $0xffff  }
0x8c: {  	v33 =	vld.idx.msk [tilespmem:v0+s16+$0x0], $0xffff  }
0x8d: {  	v35 =	vld.idx.msk [tilespmem:v0+s17+$0x0], $0xffff  }
0x8e: {  	v1 =	vld.idx.msk [tilespmem:v1+s18+$0x0], $0xffff  }
0x8f: {  	v0 =	vld.idx.msk [tilespmem:v0+s18+$0x0], $0xffff;
	_ =	sdelay $0x2  }
0x90: {  	v2 =	vsub.f32 v33, v34;
	v37 =	vsub.f32 v35, v36;
	_ =	sdelay $0x1  }
0x91: {  	v0 =	vsub.f32 v0, v1;
	v38 =	vmul.f32 v2, v2;
	v39 =	vmul.f32 v37, v37;
	_ =	sdelay $0x1  }
0x92: {  	v0 =	vmul.f32 v0, v0;
	v1 =	vadd.f32 v39, v38;
	_ =	sdelay $0x1  }
0x93: {  	s20 =	sadd.s32 $0xFFFFFF80, s25;
	v0 =	vadd.f32 v0, v1  }
0x94: {  	v40 =	vmov s20  }
0x95: {  	v1 =	vshrl.u32 v40, $0x5;
	[tilespmem:$0xC790] =	vst v0  }
0x96: {  	v1 =	vbroadcast v1, $0x0;
	v0 =	vld [tilespmem:s10+$0x20];
	_ =	sdelay $0x5  }
0x97: {  	v42 =	vld.idx.msk [tilespmem:v1+s16+$0x0], $0xffff  }
0x98: {  	v44 =	vld.idx.msk [tilespmem:v1+s17+$0x0], $0xffff  }
0x99: {  	v41 =	vld.idx.msk [tilespmem:v0+s16+$0x0], $0xffff  }
0x9a: {  	v43 =	vld.idx.msk [tilespmem:v0+s17+$0x0], $0xffff  }
0x9b: {  	v1 =	vld.idx.msk [tilespmem:v1+s18+$0x0], $0xffff  }
0x9c: {  	v0 =	vld.idx.msk [tilespmem:v0+s18+$0x0], $0xffff;
	_ =	sdelay $0x2  }
0x9d: {  	v2 =	vsub.f32 v41, v42;
	v45 =	vsub.f32 v43, v44;
	_ =	sdelay $0x1  }
0x9e: {  	v0 =	vsub.f32 v0, v1;
	v46 =	vmul.f32 v2, v2;
	v47 =	vmul.f32 v45, v45;
	_ =	sdelay $0x1  }
0x9f: {  	v0 =	vmul.f32 v0, v0;
	v1 =	vadd.f32 v47, v46;
	_ =	sdelay $0x1  }
0xa0: {  	s20 =	sadd.s32 $0xFFFFFF90, s25;
	v0 =	vadd.f32 v0, v1  }
0xa1: {  	v48 =	vmov s20  }
0xa2: {  	v1 =	vshrl.u32 v48, $0x5;
	[tilespmem:$0xC7A0] =	vst v0  }
0xa3: {  	v1 =	vbroadcast v1, $0x0;
	v0 =	vld [tilespmem:s10+$0x30];
	_ =	sdelay $0x5  }
0xa4: {  	v50 =	vld.idx.msk [tilespmem:v1+s16+$0x0], $0xffff  }
0xa5: {  	v52 =	vld.idx.msk [tilespmem:v1+s17+$0x0], $0xffff  }
0xa6: {  	v49 =	vld.idx.msk [tilespmem:v0+s16+$0x0], $0xffff  }
0xa7: {  	v51 =	vld.idx.msk [tilespmem:v0+s17+$0x0], $0xffff  }
0xa8: {  	v1 =	vld.idx.msk [tilespmem:v1+s18+$0x0], $0xffff  }
0xa9: {  	v0 =	vld.idx.msk [tilespmem:v0+s18+$0x0], $0xffff;
	_ =	sdelay $0x2  }
0xaa: {  	v2 =	vsub.f32 v49, v50;
	v53 =	vsub.f32 v51, v52;
	_ =	sdelay $0x1  }
0xab: {  	v0 =	vsub.f32 v0, v1;
	v54 =	vmul.f32 v2, v2;
	v55 =	vmul.f32 v53, v53;
	_ =	sdelay $0x1  }
0xac: {  	v0 =	vmul.f32 v0, v0;
	v1 =	vadd.f32 v55, v54;
	_ =	sdelay $0x1  }
0xad: {  	s25 =	sadd.s32 $0xFFFFFFA0, s25;
	v0 =	vadd.f32 v0, v1  }
0xae: {  	v56 =	vmov s25  }
0xaf: {  	v1 =	vshrl.u32 v56, $0x5;
	[tilespmem:$0xC7B0] =	vst v0  }
0xb0: {  	v1 =	vbroadcast v1, $0x0;
	v0 =	vld [tilespmem:s10+$0x40];
	_ =	sdelay $0x5  }
0xb1: {  	v58 =	vld.idx.msk [tilespmem:v1+s16+$0x0], $0xffff  }
0xb2: {  	v60 =	vld.idx.msk [tilespmem:v1+s17+$0x0], $0xffff  }
0xb3: {  	v57 =	vld.idx.msk [tilespmem:v0+s16+$0x0], $0xffff  }
0xb4: {  	v59 =	vld.idx.msk [tilespmem:v0+s17+$0x0], $0xffff  }
0xb5: {  	v1 =	vld.idx.msk [tilespmem:v1+s18+$0x0], $0xffff  }
0xb6: {  	v0 =	vld.idx.msk [tilespmem:v0+s18+$0x0], $0xffff;
	_ =	sdelay $0x2  }
0xb7: {  	v2 =	vsub.f32 v57, v58;
	v61 =	vsub.f32 v59, v60;
	_ =	sdelay $0x1  }
0xb8: {  	v0 =	vsub.f32 v0, v1;
	v62 =	vmul.f32 v2, v2;
	v63 =	vmul.f32 v61, v61;
	_ =	sdelay $0x1  }
0xb9: {  	v0 =	vmul.f32 v0, v0;
	v1 =	vadd.f32 v63, v62;
	_ =	sdelay $0x1  }
0xba: {  	v0 =	vadd.f32 v0, v1;
	_ =	sdelay $0x1  }
0xbb: {  	[tilespmem:$0xC7C0] =	vst v0  }
0xbc: {  	_ =	swait.ge [sflag:s24], $0x2800  }
.Ltmp8:
0xbd: {  	[sflag:s24] =	ssyncset.done $0x0;
	(pc) =	sbr.rel @!p0 .LBB2_10-.Ltmp8, $4  }
0xbe: {  	[sflag:s24] =	ssyncadd.s32 $0xFFFFD800  }
0xbf: {  	[hbm4b:s13+s4] =	stream.linear.scatter [tilespmem:s19], [sflag:$0x5], $0x2800, $0x38;
	[tilespmem:$0x14000] =	vst v63  }
0xc0: {  	s25 =	simm.s32 $0xC780  }
0xc1: {  	[hbm4b:s14+s4] =	stream.linear.scatter [tilespmem:s25], [sflag:$0x5], $0x50, $0x38;
	[tilespmem:$0x14000] =	vst v63  }
0xc2: {  	v0 =	vld [tilespmem:s0+$0x0]  }
0xc3: {  	s25 =	sadd.s32 s7, s0  }
0xc4: {  	v1 =	vmov s25  }
0xc5: {  	v1 =	vshrl.u32 v1, $0x5  }
0xc6: {  	v1 =	vbroadcast v1, $0x0;
	_ =	sdelay $0x3  }
0xc7: {  	v2 =	vld.idx.msk [tilespmem:v0+s16+$0x0], $0xffff  }
0xc8: {  	v4 =	vld.idx.msk [tilespmem:v0+s17+$0x0], $0xffff  }
0xc9: {  	v3 =	vld.idx.msk [tilespmem:v1+s16+$0x0], $0xffff  }
0xca: {  	v5 =	vld.idx.msk [tilespmem:v1+s17+$0x0], $0xffff  }
0xcb: {  	v0 =	vld.idx.msk [tilespmem:v0+s18+$0x0], $0xffff  }
0xcc: {  	v1 =	vld.idx.msk [tilespmem:v1+s18+$0x0], $0xffff;
	_ =	sdelay $0x2  }
0xcd: {  	v2 =	vsub.f32 v2, v3;
	v6 =	vsub.f32 v4, v5;
	_ =	sdelay $0x1  }
0xce: {  	v0 =	vsub.f32 v0, v1;
	v7 =	vmul.f32 v2, v2;
	v8 =	vmul.f32 v6, v6;
	_ =	sdelay $0x1  }
0xcf: {  	v0 =	vmul.f32 v0, v0;
	v1 =	vadd.f32 v8, v7  }
0xd0: {  	s20 =	sadd.s32 $0x10, s0  }
0xd1: {  	s20 =	sadd.s32 s7, s20;
	v0 =	vadd.f32 v0, v1  }
0xd2: {  	v9 =	vmov s20  }
0xd3: {  	v1 =	vshrl.u32 v9, $0x5;
	[tilespmem:$0xC800] =	vst v0  }
0xd4: {  	v1 =	vbroadcast v1, $0x0;
	v0 =	vld [tilespmem:s0+$0x10];
	_ =	sdelay $0x5  }
0xd5: {  	v11 =	vld.idx.msk [tilespmem:v1+s16+$0x0], $0xffff  }
0xd6: {  	v13 =	vld.idx.msk [tilespmem:v1+s17+$0x0], $0xffff  }
0xd7: {  	v10 =	vld.idx.msk [tilespmem:v0+s16+$0x0], $0xffff  }
0xd8: {  	v12 =	vld.idx.msk [tilespmem:v0+s17+$0x0], $0xffff  }
0xd9: {  	v1 =	vld.idx.msk [tilespmem:v1+s18+$0x0], $0xffff  }
0xda: {  	v0 =	vld.idx.msk [tilespmem:v0+s18+$0x0], $0xffff;
	_ =	sdelay $0x2  }
0xdb: {  	v2 =	vsub.f32 v10, v11;
	v14 =	vsub.f32 v12, v13;
	_ =	sdelay $0x1  }
0xdc: {  	v0 =	vsub.f32 v0, v1;
	v15 =	vmul.f32 v2, v2;
	v16 =	vmul.f32 v14, v14;
	_ =	sdelay $0x1  }
0xdd: {  	v0 =	vmul.f32 v0, v0;
	v1 =	vadd.f32 v16, v15;
	_ =	sdelay $0x1  }
0xde: {  	v0 =	vadd.f32 v0, v1;
	_ =	sdelay $0x1  }
0xdf: {  	s20 =	sor.u32 $0x20, s0;
	[tilespmem:$0xC810] =	vst v0  }
0xe0: {  	v0 =	vld [tilespmem:s20+$0x0]  }
0xe1: {  	s20 =	sadd.s32 s7, s20  }
0xe2: {  	v17 =	vmov s20  }
0xe3: {  	v1 =	vshrl.u32 v17, $0x5  }
0xe4: {  	v1 =	vbroadcast v1, $0x0;
	_ =	sdelay $0x3  }
0xe5: {  	v18 =	vld.idx.msk [tilespmem:v0+s16+$0x0], $0xffff  }
0xe6: {  	v20 =	vld.idx.msk [tilespmem:v0+s17+$0x0], $0xffff  }
0xe7: {  	v19 =	vld.idx.msk [tilespmem:v1+s16+$0x0], $0xffff  }
0xe8: {  	v21 =	vld.idx.msk [tilespmem:v1+s17+$0x0], $0xffff  }
0xe9: {  	v0 =	vld.idx.msk [tilespmem:v0+s18+$0x0], $0xffff  }
0xea: {  	v1 =	vld.idx.msk [tilespmem:v1+s18+$0x0], $0xffff;
	_ =	sdelay $0x2  }
0xeb: {  	v2 =	vsub.f32 v18, v19;
	v22 =	vsub.f32 v20, v21;
	_ =	sdelay $0x1  }
0xec: {  	v0 =	vsub.f32 v0, v1;
	v23 =	vmul.f32 v2, v2;
	v24 =	vmul.f32 v22, v22;
	_ =	sdelay $0x1  }
0xed: {  	v0 =	vmul.f32 v0, v0;
	v1 =	vadd.f32 v24, v23  }
0xee: {  	s20 =	sadd.s32 $0x30, s0  }
0xef: {  	s20 =	sadd.s32 s7, s20;
	v0 =	vadd.f32 v0, v1  }
0xf0: {  	v25 =	vmov s20  }
0xf1: {  	v1 =	vshrl.u32 v25, $0x5;
	[tilespmem:$0xC820] =	vst v0  }
0xf2: {  	v1 =	vbroadcast v1, $0x0;
	v0 =	vld [tilespmem:s0+$0x30];
	_ =	sdelay $0x5  }
0xf3: {  	v27 =	vld.idx.msk [tilespmem:v1+s16+$0x0], $0xffff  }
0xf4: {  	v29 =	vld.idx.msk [tilespmem:v1+s17+$0x0], $0xffff  }
0xf5: {  	v26 =	vld.idx.msk [tilespmem:v0+s16+$0x0], $0xffff  }
0xf6: {  	v28 =	vld.idx.msk [tilespmem:v0+s17+$0x0], $0xffff  }
0xf7: {  	v1 =	vld.idx.msk [tilespmem:v1+s18+$0x0], $0xffff  }
0xf8: {  	v0 =	vld.idx.msk [tilespmem:v0+s18+$0x0], $0xffff;
	_ =	sdelay $0x2  }
0xf9: {  	v2 =	vsub.f32 v26, v27;
	v30 =	vsub.f32 v28, v29;
	_ =	sdelay $0x1  }
0xfa: {  	v0 =	vsub.f32 v0, v1;
	v31 =	vmul.f32 v2, v2;
	v32 =	vmul.f32 v30, v30;
	_ =	sdelay $0x1  }
0xfb: {  	v0 =	vmul.f32 v0, v0;
	v1 =	vadd.f32 v32, v31  }
0xfc: {  	s20 =	sadd.s32 $0x40, s0  }
0xfd: {  	s20 =	sadd.s32 s7, s20;
	v0 =	vadd.f32 v0, v1  }
0xfe: {  	v33 =	vmov s20  }
0xff: {  	v1 =	vshrl.u32 v33, $0x5;
	[tilespmem:$0xC830] =	vst v0  }
0x100: {  	v1 =	vbroadcast v1, $0x0;
	v0 =	vld [tilespmem:s0+$0x40];
	_ =	sdelay $0x5  }
0x101: {  	v35 =	vld.idx.msk [tilespmem:v1+s16+$0x0], $0xffff  }
0x102: {  	v37 =	vld.idx.msk [tilespmem:v1+s17+$0x0], $0xffff  }
0x103: {  	v34 =	vld.idx.msk [tilespmem:v0+s16+$0x0], $0xffff  }
0x104: {  	v36 =	vld.idx.msk [tilespmem:v0+s17+$0x0], $0xffff  }
0x105: {  	v1 =	vld.idx.msk [tilespmem:v1+s18+$0x0], $0xffff  }
0x106: {  	v0 =	vld.idx.msk [tilespmem:v0+s18+$0x0], $0xffff;
	_ =	sdelay $0x2  }
0x107: {  	v2 =	vsub.f32 v34, v35;
	v38 =	vsub.f32 v36, v37;
	_ =	sdelay $0x1  }
0x108: {  	v0 =	vsub.f32 v0, v1;
	v39 =	vmul.f32 v2, v2;
	v40 =	vmul.f32 v38, v38;
	_ =	sdelay $0x1  }
0x109: {  	v0 =	vmul.f32 v0, v0;
	v1 =	vadd.f32 v40, v39;
	_ =	sdelay $0x1  }
0x10a: {  	v0 =	vadd.f32 v0, v1;
	_ =	sdelay $0x1  }
0x10b: {  	[tilespmem:$0xC840] =	vst v0  }
0x10c: {  	_ =	swait.ge [sflag:s26], $0x2800  }
0x10d: {  	s20 =	sshll.u32 s25, $0x4;
	[sflag:s26] =	ssyncset.done $0x0  }
0x10e: {  	s0 =	sadd.s32 s8, s20;
	s20 =	simm.s32 $0x4F80;
	[sflag:s26] =	ssyncadd.s32 $0xFFFFD800  }
0x10f: {  	[hbm4b:s0+s4] =	stream.linear.scatter [tilespmem:s20], [sflag:$0x6], $0x2800, $0x38;
	[tilespmem:$0x14000] =	vst v63  }
0x110: {  	s20 =	sshrl.u32 s25, $0x3  }
0x111: {  	s25 =	simm.s32 $0xC800;
	s0 =	sadd.s32 s9, s20  }
0x112: {  	[hbm4b:s0+s4] =	stream.linear.scatter [tilespmem:s25], [sflag:$0x6], $0x50, $0x38;
	[tilespmem:$0x14000] =	vst v63  }
0x113: {  	s0 =	sadd.s32 s7, s30;
	v41 =	vld [tilespmem:s30+$0x0]  }
0x114: {  	v42 =	vmov s0  }
0x115: {  	v1 =	vshrl.u32 v42, $0x5  }
0x116: {  	v1 =	vbroadcast v1, $0x0;
	_ =	sdelay $0x4  }
0x117: {  	v43 =	vld.idx.msk [tilespmem:v41+s16+$0x0], $0xffff  }
0x118: {  	v44 =	vld.idx.msk [tilespmem:v1+s16+$0x0], $0xffff  }
0x119: {  	v45 =	vld.idx.msk [tilespmem:v41+s17+$0x0], $0xffff  }
0x11a: {  	v46 =	vld.idx.msk [tilespmem:v1+s17+$0x0], $0xffff  }
0x11b: {  	v0 =	vld.idx.msk [tilespmem:v41+s18+$0x0], $0xffff  }
0x11c: {  	v1 =	vld.idx.msk [tilespmem:v1+s18+$0x0], $0xffff;
	_ =	sdelay $0x2  }
0x11d: {  	v2 =	vsub.f32 v43, v44;
	v47 =	vsub.f32 v45, v46;
	_ =	sdelay $0x1  }
0x11e: {  	v0 =	vsub.f32 v0, v1;
	v48 =	vmul.f32 v2, v2;
	v49 =	vmul.f32 v47, v47;
	_ =	sdelay $0x1  }
0x11f: {  	v0 =	vmul.f32 v0, v0;
	v1 =	vadd.f32 v49, v48  }
0x120: {  	s25 =	sor.u32 $0x10, s30  }
0x121: {  	s20 =	sadd.s32 s7, s25;
	v0 =	vadd.f32 v0, v1  }
0x122: {  	v50 =	vmov s20  }
0x123: {  	v1 =	vshrl.u32 v50, $0x5;
	[tilespmem:$0xC880] =	vst v0  }
0x124: {  	v1 =	vbroadcast v1, $0x0;
	v0 =	vld [tilespmem:s25+$0x0];
	_ =	sdelay $0x5  }
0x125: {  	v52 =	vld.idx.msk [tilespmem:v1+s16+$0x0], $0xffff  }
0x126: {  	v54 =	vld.idx.msk [tilespmem:v1+s17+$0x0], $0xffff  }
0x127: {  	v51 =	vld.idx.msk [tilespmem:v0+s16+$0x0], $0xffff  }
0x128: {  	v53 =	vld.idx.msk [tilespmem:v0+s17+$0x0], $0xffff  }
0x129: {  	v1 =	vld.idx.msk [tilespmem:v1+s18+$0x0], $0xffff  }
0x12a: {  	v0 =	vld.idx.msk [tilespmem:v0+s18+$0x0], $0xffff;
	_ =	sdelay $0x2  }
0x12b: {  	v2 =	vsub.f32 v51, v52;
	v55 =	vsub.f32 v53, v54;
	_ =	sdelay $0x1  }
0x12c: {  	v0 =	vsub.f32 v0, v1;
	v56 =	vmul.f32 v2, v2;
	v57 =	vmul.f32 v55, v55;
	_ =	sdelay $0x1  }
0x12d: {  	v0 =	vmul.f32 v0, v0;
	v1 =	vadd.f32 v57, v56  }
0x12e: {  	s25 =	sadd.s32 $0x20, s30  }
0x12f: {  	s20 =	sadd.s32 s7, s25;
	v0 =	vadd.f32 v0, v1  }
0x130: {  	v58 =	vmov s20  }
0x131: {  	v1 =	vshrl.u32 v58, $0x5;
	[tilespmem:$0xC890] =	vst v0  }
0x132: {  	v1 =	vbroadcast v1, $0x0;
	v0 =	vld [tilespmem:s30+$0x20];
	_ =	sdelay $0x5  }
0x133: {  	v60 =	vld.idx.msk [tilespmem:v1+s16+$0x0], $0xffff  }
0x134: {  	v62 =	vld.idx.msk [tilespmem:v1+s17+$0x0], $0xffff  }
0x135: {  	v59 =	vld.idx.msk [tilespmem:v0+s16+$0x0], $0xffff  }
0x136: {  	v61 =	vld.idx.msk [tilespmem:v0+s17+$0x0], $0xffff  }
0x137: {  	v1 =	vld.idx.msk [tilespmem:v1+s18+$0x0], $0xffff  }
0x138: {  	v0 =	vld.idx.msk [tilespmem:v0+s18+$0x0], $0xffff;
	_ =	sdelay $0x2  }
0x139: {  	v2 =	vsub.f32 v59, v60;
	v63 =	vsub.f32 v61, v62;
	_ =	sdelay $0x1  }
0x13a: {  	v0 =	vsub.f32 v0, v1;
	v5 =	vmul.f32 v2, v2;
	v6 =	vmul.f32 v63, v63;
	_ =	sdelay $0x1  }
0x13b: {  	v0 =	vmul.f32 v0, v0;
	v1 =	vadd.f32 v6, v5  }
0x13c: {  	s25 =	sadd.s32 $0x30, s30  }
0x13d: {  	s20 =	sadd.s32 s7, s25;
	v0 =	vadd.f32 v0, v1  }
0x13e: {  	v7 =	vmov s20  }
0x13f: {  	v1 =	vshrl.u32 v7, $0x5;
	[tilespmem:$0xC8A0] =	vst v0  }
0x140: {  	v1 =	vbroadcast v1, $0x0;
	v0 =	vld [tilespmem:s30+$0x30];
	_ =	sdelay $0x5  }
0x141: {  	v9 =	vld.idx.msk [tilespmem:v1+s16+$0x0], $0xffff  }
0x142: {  	v11 =	vld.idx.msk [tilespmem:v1+s17+$0x0], $0xffff  }
0x143: {  	v8 =	vld.idx.msk [tilespmem:v0+s16+$0x0], $0xffff  }
0x144: {  	v10 =	vld.idx.msk [tilespmem:v0+s17+$0x0], $0xffff  }
0x145: {  	v1 =	vld.idx.msk [tilespmem:v1+s18+$0x0], $0xffff  }
0x146: {  	v0 =	vld.idx.msk [tilespmem:v0+s18+$0x0], $0xffff;
	_ =	sdelay $0x2  }
0x147: {  	v2 =	vsub.f32 v8, v9;
	v12 =	vsub.f32 v10, v11;
	_ =	sdelay $0x1  }
0x148: {  	v0 =	vsub.f32 v0, v1;
	v13 =	vmul.f32 v2, v2;
	v14 =	vmul.f32 v12, v12;
	_ =	sdelay $0x1  }
0x149: {  	v0 =	vmul.f32 v0, v0;
	v1 =	vadd.f32 v14, v13  }
0x14a: {  	s25 =	sadd.s32 $0x40, s30  }
0x14b: {  	s20 =	sadd.s32 s7, s25;
	v0 =	vadd.f32 v0, v1  }
0x14c: {  	v15 =	vmov s20  }
0x14d: {  	v1 =	vshrl.u32 v15, $0x5;
	[tilespmem:$0xC8B0] =	vst v0  }
0x14e: {  	v1 =	vbroadcast v1, $0x0;
	v0 =	vld [tilespmem:s30+$0x40];
	_ =	sdelay $0x5  }
0x14f: {  	v17 =	vld.idx.msk [tilespmem:v1+s16+$0x0], $0xffff  }
0x150: {  	v19 =	vld.idx.msk [tilespmem:v1+s17+$0x0], $0xffff  }
0x151: {  	v16 =	vld.idx.msk [tilespmem:v0+s16+$0x0], $0xffff  }
0x152: {  	v18 =	vld.idx.msk [tilespmem:v0+s17+$0x0], $0xffff  }
0x153: {  	v1 =	vld.idx.msk [tilespmem:v1+s18+$0x0], $0xffff  }
0x154: {  	v0 =	vld.idx.msk [tilespmem:v0+s18+$0x0], $0xffff;
	_ =	sdelay $0x2  }
0x155: {  	v2 =	vsub.f32 v16, v17;
	v20 =	vsub.f32 v18, v19;
	_ =	sdelay $0x1  }
0x156: {  	v0 =	vsub.f32 v0, v1;
	v21 =	vmul.f32 v2, v2;
	v22 =	vmul.f32 v20, v20;
	_ =	sdelay $0x1  }
0x157: {  	v0 =	vmul.f32 v0, v0;
	v1 =	vadd.f32 v22, v21;
	_ =	sdelay $0x1  }
0x158: {  	v0 =	vadd.f32 v0, v1;
	_ =	sdelay $0x1  }
0x159: {  	[tilespmem:$0xC8C0] =	vst v0  }
0x15a: {  	_ =	swait.ge [sflag:s29], $0x2800  }
0x15b: {  	s30 =	sshll.u32 s0, $0x4;
	[sflag:s29] =	ssyncset.done $0x0  }
0x15c: {  	s0 =	sshrl.u32 s0, $0x3;
	s20 =	sadd.s32 s8, s30;
	[sflag:s29] =	ssyncadd.s32 $0xFFFFD800  }
0x15d: {  	[hbm4b:s20+s4] =	stream.linear.scatter [tilespmem:s21], [sflag:$0x7], $0x2800, $0x38;
	[tilespmem:$0x14000] =	vst v63  }
0x15e: {  	s25 =	simm.s32 $0xC880;
	s0 =	sadd.s32 s9, s0  }
0x15f: {  	[hbm4b:s0+s4] =	stream.linear.scatter [tilespmem:s25], [sflag:$0x7], $0x50, $0x38;
	[tilespmem:$0x14000] =	vst v63  }
0x160: {  	s0 =	sadd.s32 s7, s28;
	v23 =	vld [tilespmem:s28+$0x0]  }
0x161: {  	v24 =	vmov s0  }
0x162: {  	v1 =	vshrl.u32 v24, $0x5  }
0x163: {  	v1 =	vbroadcast v1, $0x0;
	_ =	sdelay $0x4  }
0x164: {  	v25 =	vld.idx.msk [tilespmem:v23+s16+$0x0], $0xffff  }
0x165: {  	v26 =	vld.idx.msk [tilespmem:v1+s16+$0x0], $0xffff  }
0x166: {  	v27 =	vld.idx.msk [tilespmem:v23+s17+$0x0], $0xffff  }
0x167: {  	v28 =	vld.idx.msk [tilespmem:v1+s17+$0x0], $0xffff  }
0x168: {  	v0 =	vld.idx.msk [tilespmem:v23+s18+$0x0], $0xffff  }
0x169: {  	v1 =	vld.idx.msk [tilespmem:v1+s18+$0x0], $0xffff;
	_ =	sdelay $0x2  }
0x16a: {  	v2 =	vsub.f32 v25, v26;
	v29 =	vsub.f32 v27, v28;
	_ =	sdelay $0x1  }
0x16b: {  	v0 =	vsub.f32 v0, v1;
	v30 =	vmul.f32 v2, v2;
	v31 =	vmul.f32 v29, v29;
	_ =	sdelay $0x1  }
0x16c: {  	v0 =	vmul.f32 v0, v0;
	v1 =	vadd.f32 v31, v30  }
0x16d: {  	s30 =	sadd.s32 $0x10, s28  }
0x16e: {  	s20 =	sadd.s32 s7, s30;
	v0 =	vadd.f32 v0, v1  }
0x16f: {  	v32 =	vmov s20  }
0x170: {  	v1 =	vshrl.u32 v32, $0x5;
	[tilespmem:$0xC900] =	vst v0  }
0x171: {  	v1 =	vbroadcast v1, $0x0;
	v0 =	vld [tilespmem:s28+$0x10];
	_ =	sdelay $0x5  }
0x172: {  	v34 =	vld.idx.msk [tilespmem:v1+s16+$0x0], $0xffff  }
0x173: {  	v36 =	vld.idx.msk [tilespmem:v1+s17+$0x0], $0xffff  }
0x174: {  	v33 =	vld.idx.msk [tilespmem:v0+s16+$0x0], $0xffff  }
0x175: {  	v35 =	vld.idx.msk [tilespmem:v0+s17+$0x0], $0xffff  }
0x176: {  	v1 =	vld.idx.msk [tilespmem:v1+s18+$0x0], $0xffff  }
0x177: {  	v0 =	vld.idx.msk [tilespmem:v0+s18+$0x0], $0xffff;
	_ =	sdelay $0x2  }
0x178: {  	v2 =	vsub.f32 v33, v34;
	v37 =	vsub.f32 v35, v36;
	_ =	sdelay $0x1  }
0x179: {  	v0 =	vsub.f32 v0, v1;
	v38 =	vmul.f32 v2, v2;
	v39 =	vmul.f32 v37, v37;
	_ =	sdelay $0x1  }
0x17a: {  	v0 =	vmul.f32 v0, v0;
	v1 =	vadd.f32 v39, v38  }
0x17b: {  	s25 =	sadd.s32 $0x20, s28  }
0x17c: {  	s20 =	sadd.s32 s7, s25;
	v0 =	vadd.f32 v0, v1  }
0x17d: {  	v40 =	vmov s20  }
0x17e: {  	v1 =	vshrl.u32 v40, $0x5;
	[tilespmem:$0xC910] =	vst v0  }
0x17f: {  	v1 =	vbroadcast v1, $0x0;
	v0 =	vld [tilespmem:s28+$0x20];
	_ =	sdelay $0x5  }
0x180: {  	v42 =	vld.idx.msk [tilespmem:v1+s16+$0x0], $0xffff  }
0x181: {  	v44 =	vld.idx.msk [tilespmem:v1+s17+$0x0], $0xffff  }
0x182: {  	v41 =	vld.idx.msk [tilespmem:v0+s16+$0x0], $0xffff  }
0x183: {  	v43 =	vld.idx.msk [tilespmem:v0+s17+$0x0], $0xffff  }
0x184: {  	v1 =	vld.idx.msk [tilespmem:v1+s18+$0x0], $0xffff  }
0x185: {  	v0 =	vld.idx.msk [tilespmem:v0+s18+$0x0], $0xffff;
	_ =	sdelay $0x2  }
0x186: {  	v2 =	vsub.f32 v41, v42;
	v45 =	vsub.f32 v43, v44;
	_ =	sdelay $0x1  }
0x187: {  	v0 =	vsub.f32 v0, v1;
	v46 =	vmul.f32 v2, v2;
	v47 =	vmul.f32 v45, v45;
	_ =	sdelay $0x1  }
0x188: {  	v0 =	vmul.f32 v0, v0;
	v1 =	vadd.f32 v47, v46  }
0x189: {  	s30 =	sadd.s32 $0x30, s28  }
0x18a: {  	s20 =	sadd.s32 s7, s30;
	v0 =	vadd.f32 v0, v1  }
0x18b: {  	v48 =	vmov s20  }
0x18c: {  	v1 =	vshrl.u32 v48, $0x5;
	[tilespmem:$0xC920] =	vst v0  }
0x18d: {  	v1 =	vbroadcast v1, $0x0;
	v0 =	vld [tilespmem:s28+$0x30];
	_ =	sdelay $0x5  }
0x18e: {  	v50 =	vld.idx.msk [tilespmem:v1+s16+$0x0], $0xffff  }
0x18f: {  	v52 =	vld.idx.msk [tilespmem:v1+s17+$0x0], $0xffff  }
0x190: {  	v49 =	vld.idx.msk [tilespmem:v0+s16+$0x0], $0xffff  }
0x191: {  	v51 =	vld.idx.msk [tilespmem:v0+s17+$0x0], $0xffff  }
0x192: {  	v1 =	vld.idx.msk [tilespmem:v1+s18+$0x0], $0xffff  }
0x193: {  	v0 =	vld.idx.msk [tilespmem:v0+s18+$0x0], $0xffff;
	_ =	sdelay $0x2  }
0x194: {  	v2 =	vsub.f32 v49, v50;
	v53 =	vsub.f32 v51, v52;
	_ =	sdelay $0x1  }
0x195: {  	v0 =	vsub.f32 v0, v1;
	v54 =	vmul.f32 v2, v2;
	v55 =	vmul.f32 v53, v53;
	_ =	sdelay $0x1  }
0x196: {  	v0 =	vmul.f32 v0, v0;
	v1 =	vadd.f32 v55, v54  }
0x197: {  	s25 =	sadd.s32 $0x40, s28  }
0x198: {  	s20 =	sadd.s32 s7, s25;
	v0 =	vadd.f32 v0, v1  }
0x199: {  	v56 =	vmov s20  }
0x19a: {  	v1 =	vshrl.u32 v56, $0x5;
	[tilespmem:$0xC930] =	vst v0  }
0x19b: {  	v1 =	vbroadcast v1, $0x0;
	v0 =	vld [tilespmem:s28+$0x40];
	_ =	sdelay $0x5  }
0x19c: {  	v58 =	vld.idx.msk [tilespmem:v1+s16+$0x0], $0xffff  }
0x19d: {  	v60 =	vld.idx.msk [tilespmem:v1+s17+$0x0], $0xffff  }
0x19e: {  	v57 =	vld.idx.msk [tilespmem:v0+s16+$0x0], $0xffff  }
0x19f: {  	v59 =	vld.idx.msk [tilespmem:v0+s17+$0x0], $0xffff  }
0x1a0: {  	v1 =	vld.idx.msk [tilespmem:v1+s18+$0x0], $0xffff  }
0x1a1: {  	v0 =	vld.idx.msk [tilespmem:v0+s18+$0x0], $0xffff;
	_ =	sdelay $0x2  }
0x1a2: {  	v2 =	vsub.f32 v57, v58;
	v61 =	vsub.f32 v59, v60;
	_ =	sdelay $0x1  }
0x1a3: {  	v0 =	vsub.f32 v0, v1;
	v62 =	vmul.f32 v2, v2;
	v63 =	vmul.f32 v61, v61;
	_ =	sdelay $0x1  }
0x1a4: {  	v0 =	vmul.f32 v0, v0;
	v1 =	vadd.f32 v63, v62;
	_ =	sdelay $0x1  }
0x1a5: {  	v0 =	vadd.f32 v0, v1;
	_ =	sdelay $0x1  }
0x1a6: {  	[tilespmem:$0xC940] =	vst v0  }
0x1a7: {  	_ =	swait.ge [sflag:s31], $0x2800  }
.Ltmp9:
0x1a8: {  	s28 =	sshll.u32 s0, $0x4;
	[sflag:s31] =	ssyncset.done $0x0;
	(pc) =	sbr.rel .LBB2_10-.Ltmp9, $4  }
0x1a9: {  	s0 =	sshrl.u32 s0, $0x3;
	s20 =	sadd.s32 s8, s28;
	[sflag:s31] =	ssyncadd.s32 $0xFFFFD800  }
0x1aa: {  	[hbm4b:s20+s4] =	stream.linear.scatter [tilespmem:s23], [sflag:$0x8], $0x2800, $0x38;
	[tilespmem:$0x14000] =	vst v63  }
0x1ab: {  	s30 =	simm.s32 $0xC900;
	s0 =	sadd.s32 s9, s0  }
0x1ac: {  	[hbm4b:s0+s4] =	stream.linear.scatter [tilespmem:s30], [sflag:$0x8], $0x50, $0x38;
	[tilespmem:$0x14000] =	vst v63  }
.LBB2_12:
0x1ad: {  	_ =	sfence.sel $0x180000  }
0x1ae: {  	[bflag:$0x0] =	sbarrier.arrive $0xFFFF  }
0x1af: {  	_ =	strace $0x90000047  }
0x1b0: {  	s0 =	stileid.u32;
	[bflag:$0x2] =	sbarrier.arrive $0xFFFF  }
0x1b1: {  	p0 =	sne.s32 s0, $0x0;
	s0 =	rddreg [dreg:$0x3]  }
0x1b2: {  	s0 =	sadd.s32 @!p0 $0x100000, s0  }
0x1b3: {  	[sflag:s0] =	ssyncadd.tile.s32 @!p0 $0x1;
	_ =	shalt  }
.Lfunc_end2:
_tile_overlayer_lowered:
.L_overlay_start_2:
0x1b4: {  	(tag) =	ssettag $0x2  }
0x1b5: {  	s0 =	rddreg [dreg:$0x0];
	s2 =	stileid.u32  }
0x1b6: {  	s1 =	rddreg [dreg:$0x1];
	p0 =	sne.s32 s2, $0x0  }
0x1b7: {  	s3 =	rddreg [dreg:$0x2];
	[bflag:$0x3] =	sbarrier.arrive $0xFFFF;
	s2 =	simm.s32 @!p0 $0x1C09  }
0x1b8: {  	[timem:s3], [sflag:s2] =	dma.local @!p0 [hbm:s0], s1  }
0x1b9: {  	s0 =	simm.s32 @!p0 $0x9  }
0x1ba: {  	_ =	swait.ge @!p0 [sflag:s0], s1  }
0x1bb: {  	s1 =	ssub.s32 @!p0 $0x0, s1;
	[sflag:s0] =	ssyncset.done @!p0 $0x0  }
0x1bc: {  	[sflag:s0] =	ssyncadd.s32 @!p0 s1  }
0x1bd: {  	[bflag:$0x3] =	sbarrier.arrive $0xFFFF  }
0x1be: {  	_ =	shalt  }

</sc_bundles>
